<compile_context>
chip_gen: v7x
topology: tpu7x:2x2x1
jax: 0.10.2.dev20260603
libtpu: 0.0.44.dev20260713+nightly
codegen_flags: <defaults>
</compile_context>

<pallas_src>
import functools

import jax
import jax.numpy as jnp
from jax import lax
from jax.experimental import pallas as pl
from jax.experimental.pallas import tpu as pltpu
from jax.experimental.pallas import tpu_sc as plsc

N_NODES = 10000
N_EDGES = 320000
IN_RAW = 7
HIDDEN = 128
CODEBOOK = 1024

NC, NS = 2, 16
NW = NC * NS

NPAD = 10240
NZERO = NPAD - N_NODES

ENDP = 2 * N_EDGES
ENDP_PER_TILE = ENDP // NW
HW = 2000
H_WINS = ENDP_PER_TILE // HW

PAIRS = 2 * N_EDGES
SW = 512
S_WINS = 40
PAIRS_PER_TILE = SW * S_WINS
PAIRS_PAD = PAIRS_PER_TILE * NW
HHALF = HIDDEN // 2

ROWS_D = 400
GRID_D = N_NODES // ROWS_D


@functools.cache
def _sc_mesh():
    return plsc.VectorSubcoreMesh(
        core_axis_name="c", subcore_axis_name="s",
        num_cores=NC, num_subcores=NS)


def _hist_body(endp_hbm, ones_hbm, zeros_hbm, hist_out, idx_v, ones_v,
               deg_sh, sem):
    c = lax.axis_index("c")
    s = lax.axis_index("s")
    wid = c * NS + s

    @pl.when(s == 0)
    def _():
        pltpu.sync_copy(zeros_hbm, deg_sh)
    pltpu.sync_copy(ones_hbm, ones_v)
    plsc.subcore_barrier()

    def win(w, carry):
        base = wid * ENDP_PER_TILE + w * HW
        pltpu.sync_copy(endp_hbm.at[pl.ds(base, HW)], idx_v)
        pltpu.sync_copy(ones_v, deg_sh.at[idx_v], add=True)
        return carry

    lax.fori_loop(0, H_WINS, win, 0)
    plsc.subcore_barrier()

    @pl.when(s == 0)
    def _():
        pltpu.sync_copy(deg_sh, hist_out.at[c])


@functools.cache
def _hist_call():
    return pl.kernel(
        _hist_body,
        out_type=jax.ShapeDtypeStruct((NC, NPAD), jnp.float32),
        mesh=_sc_mesh(),
        scratch_types=[
            pltpu.VMEM((HW,), jnp.int32),
            pltpu.VMEM((HW,), jnp.float32),
            pltpu.VMEM_SHARED((NPAD,), jnp.float32),
            pltpu.SemaphoreType.DMA,
        ],
    )


def _scat_body(srcs_hbm, dsts_hbm, hn_hbm, zeros_hbm, out_hbm,
               sidx0, didx0, sidx1, didx1, rows0, rows1, acc_sh,
               sem0, sem1):
    c = lax.axis_index("c")
    s = lax.axis_index("s")
    wid = c * NS + s
    base = wid * PAIRS_PER_TILE

    @pl.when(s == 0)
    def _():
        pltpu.sync_copy(zeros_hbm, acc_sh)
    plsc.subcore_barrier()

    pltpu.sync_copy(srcs_hbm.at[pl.ds(base, SW)], sidx0)
    pltpu.sync_copy(dsts_hbm.at[pl.ds(base, SW)], didx0)
    pltpu.async_copy(hn_hbm.at[sidx0], rows0, sem0)

    def body(i, carry):
        b1 = base + (2 * i + 1) * SW
        pltpu.sync_copy(srcs_hbm.at[pl.ds(b1, SW)], sidx1)
        pltpu.sync_copy(dsts_hbm.at[pl.ds(b1, SW)], didx1)
        pltpu.async_copy(hn_hbm.at[sidx1], rows1, sem1)

        pltpu.make_async_copy(hn_hbm.at[sidx0], rows0, sem0).wait()
        pltpu.sync_copy(rows0, acc_sh.at[didx0], add=True)

        @pl.when(i < S_WINS // 2 - 1)
        def _():
            b2 = base + (2 * i + 2) * SW
            pltpu.sync_copy(srcs_hbm.at[pl.ds(b2, SW)], sidx0)
            pltpu.sync_copy(dsts_hbm.at[pl.ds(b2, SW)], didx0)
            pltpu.async_copy(hn_hbm.at[sidx0], rows0, sem0)

        pltpu.make_async_copy(hn_hbm.at[sidx1], rows1, sem1).wait()
        pltpu.sync_copy(rows1, acc_sh.at[didx1], add=True)
        return carry

    lax.fori_loop(0, S_WINS // 2, body, 0)
    plsc.subcore_barrier()

    @pl.when(s == 0)
    def _():
        pltpu.sync_copy(acc_sh, out_hbm.at[c])


@functools.cache
def _scat_call():
    return pl.kernel(
        _scat_body,
        out_type=jax.ShapeDtypeStruct((NC, NPAD, HHALF), jnp.float32),
        mesh=_sc_mesh(),
        compiler_params=pltpu.CompilerParams(use_tc_tiling_on_sc=False),
        scratch_types=[
            pltpu.VMEM((SW,), jnp.int32),
            pltpu.VMEM((SW,), jnp.int32),
            pltpu.VMEM((SW,), jnp.int32),
            pltpu.VMEM((SW,), jnp.int32),
            pltpu.VMEM((SW, HHALF), jnp.float32),
            pltpu.VMEM((SW, HHALF), jnp.float32),
            pltpu.VMEM_SHARED((NPAD, HHALF), jnp.float32),
            pltpu.SemaphoreType.DMA,
            pltpu.SemaphoreType.DMA,
        ],
    )


def _prep_body(histT_ref, feats_ref, w2_ref, b2_ref, hn_ref, norm_ref):
    deg = histT_ref[:, 0:1] + histT_ref[:, 1:2] + 1.0
    nrm = lax.rsqrt(jnp.maximum(deg, 1.0))
    row = lax.broadcasted_iota(jnp.int32, (NPAD, 1), 0)
    nrm = jnp.where(row < N_NODES, nrm, 0.0)
    h0 = jnp.dot(feats_ref[...], w2_ref[...],
                 preferred_element_type=jnp.float32) + b2_ref[...]
    hn_ref[...] = h0 * nrm
    norm_ref[...] = nrm


def _prep_call(histT, feats_pad, W2, b2r):
    return pl.pallas_call(
        _prep_body,
        out_shape=[
            jax.ShapeDtypeStruct((NPAD, HIDDEN), jnp.float32),
            jax.ShapeDtypeStruct((NPAD, 1), jnp.float32),
        ],
    )(histT, feats_pad, W2, b2r)


def _main_body(scat0_ref, scat1_ref, hn_ref, norm_ref, wg_ref, bg_ref,
               ct_ref, cb_ref, csq_ref,
               h_ref, q_ref, d2_ref, loss_ref, ind_ref, acc_sm):
    i = pl.program_id(0)
    agg = (scat0_ref[0] + scat1_ref[0] + hn_ref[...]) * norm_ref[...]
    h = jnp.maximum(
        jnp.dot(agg, wg_ref[...], preferred_element_type=jnp.float32)
        + bg_ref[...], 0.0)
    hh = jnp.sum(h * h, axis=1, keepdims=True)
    hc = jnp.dot(h, ct_ref[...], preferred_element_type=jnp.float32)
    d2 = hh - 2.0 * hc + csq_ref[...]
    iota = lax.broadcasted_iota(jnp.int32, (ROWS_D, CODEBOOK), 1)
    mind = jnp.min(d2, axis=1, keepdims=True)
    ind2 = jnp.min(jnp.where(d2 == mind, iota, CODEBOOK),
                   axis=1, keepdims=True)
    oh = (iota == ind2).astype(jnp.float32)
    q = jnp.dot(oh, cb_ref[...], preferred_element_type=jnp.float32,
                precision=lax.Precision.HIGHEST)
    h_ref[...] = h
    q_ref[...] = q
    d2_ref[...] = d2
    ind_ref[...] = ind2

    diff = q - h
    part = jnp.sum(diff * diff)

    @pl.when(i == 0)
    def _():
        acc_sm[0] = 0.0
    acc_sm[0] += part
    loss_ref[...] = jnp.full((1, 1), 1.25 / (N_NODES * HIDDEN),
                             jnp.float32) * acc_sm[0]


def _main_call(scat, hn, nrm, wg, bg2, ct, cb, csq):
    return pl.pallas_call(
        _main_body,
        grid=(GRID_D,),
        in_specs=[
            pl.BlockSpec((1, ROWS_D, HIDDEN), lambda i: (0, i, 0)),
            pl.BlockSpec((1, ROWS_D, HIDDEN), lambda i: (1, i, 0)),
            pl.BlockSpec((ROWS_D, HIDDEN), lambda i: (i, 0)),
            pl.BlockSpec((ROWS_D, 1), lambda i: (i, 0)),
            pl.BlockSpec((HIDDEN, HIDDEN), lambda i: (0, 0)),
            pl.BlockSpec((1, HIDDEN), lambda i: (0, 0)),
            pl.BlockSpec((HIDDEN, CODEBOOK), lambda i: (0, 0)),
            pl.BlockSpec((CODEBOOK, HIDDEN), lambda i: (0, 0)),
            pl.BlockSpec((1, CODEBOOK), lambda i: (0, 0)),
        ],
        out_specs=[
            pl.BlockSpec((ROWS_D, HIDDEN), lambda i: (i, 0)),
            pl.BlockSpec((ROWS_D, HIDDEN), lambda i: (i, 0)),
            pl.BlockSpec((ROWS_D, CODEBOOK), lambda i: (i, 0)),
            pl.BlockSpec((1, 1), lambda i: (0, 0)),
            pl.BlockSpec((ROWS_D, 1), lambda i: (i, 0)),
        ],
        out_shape=[
            jax.ShapeDtypeStruct((N_NODES, HIDDEN), jnp.float32),
            jax.ShapeDtypeStruct((N_NODES, HIDDEN), jnp.float32),
            jax.ShapeDtypeStruct((N_NODES, CODEBOOK), jnp.float32),
            jax.ShapeDtypeStruct((1, 1), jnp.float32),
            jax.ShapeDtypeStruct((N_NODES, 1), jnp.int32),
        ],
        scratch_shapes=[pltpu.SMEM((1,), jnp.float32)],
    )(scat, scat, hn, nrm, wg, bg2, ct, cb, csq)


def kernel(feats, edge_index, epoch, W2, b2, Wg, bg, codebook):
    del epoch
    ei = edge_index.astype(jnp.int32)
    src, dst = ei[0], ei[1]

    endp = ei.reshape(-1)
    ones_w = jnp.ones((HW,), jnp.float32)
    zeros_n = jnp.zeros((NPAD,), jnp.float32)
    hist = _hist_call()(endp, ones_w, zeros_n)

    feats_pad = jnp.pad(feats, ((0, NPAD - N_NODES), (0, 0)))
    hn, nrm = _prep_call(hist.T, feats_pad, W2, b2[None, :])

    half_pad = (PAIRS_PAD - PAIRS) // 2
    ar = jnp.arange(half_pad, dtype=jnp.int32)
    pad_src = N_NODES + (ar % NZERO)
    pad_dst = ar % N_NODES
    srcs_all = jnp.concatenate([src, pad_src, dst, pad_src])
    dsts_all = jnp.concatenate([dst, pad_dst, src, pad_dst])
    zeros_nh = jnp.zeros((NPAD, HHALF), jnp.float32)
    scat_a = _scat_call()(srcs_all, dsts_all, hn[:, :HHALF], zeros_nh)
    scat_b = _scat_call()(srcs_all, dsts_all, hn[:, HHALF:], zeros_nh)
    scat = jnp.concatenate([scat_a, scat_b], axis=2)

    bg2 = bg[None, :]
    ct = codebook.T
    csq = jnp.sum(codebook * codebook, axis=1)[None, :]

    h, q, d2, loss, ind = _main_call(
        scat, hn[:N_NODES], nrm[:N_NODES], Wg, bg2, ct, codebook, csq)
    return h, q, d2, loss[0, 0], ind[:, 0]

# --- scband reference (transcript-rebuilt; emitter-appended) ---
"""Pipeline reference for scband-sage-23295902614320 (READ-ONLY COPY).

The authoritative reference and input builder live on the scoring server;
editing this copy changes nothing except your own understanding.
"""

import jax, jax.numpy as jnp
import numpy as np

N_NODES = 10000
N_EDGES = 320000
IN_RAW = 7
HIDDEN = 128
CODEBOOK = 1024


def setup_inputs(seed: int = 0) -> dict:
    key = jax.random.key(seed)
    ks = jax.random.split(key, 6)
    feats = jax.random.normal(ks[0], (N_NODES, IN_RAW), dtype=jnp.float32)
    edge_index = jax.random.randint(ks[1], (2, N_EDGES), 0, N_NODES)
    W2 = jax.random.normal(ks[2], (IN_RAW, HIDDEN), dtype=jnp.float32) * (1.0 / np.sqrt(IN_RAW))
    b2 = jnp.zeros((HIDDEN,), dtype=jnp.float32)
    Wg = jax.random.normal(ks[3], (HIDDEN, HIDDEN), dtype=jnp.float32) * (1.0 / np.sqrt(HIDDEN))
    bg = jnp.zeros((HIDDEN,), dtype=jnp.float32)
    codebook = jax.random.normal(ks[4], (CODEBOOK, HIDDEN), dtype=jnp.float32)
    return {"feats": feats, "edge_index": edge_index, "epoch": 1,
            "W2": W2, "b2": b2, "Wg": Wg, "bg": bg, "codebook": codebook}


def reference(feats, edge_index, epoch, W2, b2, Wg, bg, codebook):
    N = feats.shape[0]
    src = edge_index[0]
    dst = edge_index[1]
    self_loop = jnp.arange(N, dtype=src.dtype)
    # torch module adds both edge directions plus self-loops (dgl.add_self_loop)
    src_all = jnp.concatenate([src, dst, self_loop])
    dst_all = jnp.concatenate([dst, src, self_loop])
    # linear_2: raw 7-dim feats -> hidden
    h = feats @ W2 + b2
    # GraphConv with DGL default symmetric normalization D^-1/2 A D^-1/2
    deg = jnp.zeros((N,), jnp.float32).at[dst_all].add(1.0)
    norm = jax.lax.rsqrt(jnp.clip(deg, 1.0, None))
    h = h * norm[:, None]
    agg = jnp.zeros((N, h.shape[1]), jnp.float32).at[dst_all].add(jnp.take(h, src_all, axis=0))
    agg = agg * norm[:, None]
    h = jax.nn.relu(agg @ Wg + bg)
    # VectorQuantize: euclidean nearest-code lookup + commitment losses (straight-through)
    d2 = jnp.sum(h * h, axis=1, keepdims=True) - 2.0 * (h @ codebook.T) + jnp.sum(codebook * codebook, axis=1)[None, :]
    embed_ind = jnp.argmin(d2, axis=1)
    quantized = jnp.take(codebook, embed_ind, axis=0)
    commit_loss = jnp.mean((jax.lax.stop_gradient(quantized) - h) ** 2)
    cb_loss = jnp.mean((quantized - jax.lax.stop_gradient(h)) ** 2)
    loss = cb_loss + 0.25 * commit_loss
    quantized_st = h + jax.lax.stop_gradient(quantized - h)
    return (h, quantized_st, d2, loss, embed_ind)

if __name__ == "__main__":
    import jax
    _d = setup_inputs()
    print(jax.jit(kernel)(*tuple(_d.values())))

</pallas_src>

<mosaic_0001>
#map = affine_map<(d0, d1) -> (0)>
#map1 = affine_map<(d0, d1) -> (0, 0)>
module attributes {stable_mosaic.version = 14 : i64} {
  func.func @_hist_body(%arg0: i32, %arg1: i32, %arg2: memref<640000xi32, #tpu.memory_space<hbm>>, %arg3: memref<2000xf32, #tpu.memory_space<hbm>>, %arg4: memref<10240xf32, #tpu.memory_space<hbm>>, %arg5: memref<2x10240xf32, #tpu.memory_space<hbm>>, %arg6: memref<2000xi32, #tpu.memory_space<vmem>>, %arg7: memref<2000xf32, #tpu.memory_space<vmem>>, %arg8: memref<10240xf32, #tpu.memory_space<vmem_shared>>, %arg9: memref<!tpu.dma_semaphore, #tpu.memory_space<semaphore_mem>>) attributes {dimension_semantics = [#tpu.dimension_semantics<core_parallel>, #tpu.dimension_semantics<subcore_parallel>], iteration_bounds = array<i64: 2, 16>, scalar_prefetch = 0 : i64, scratch_operands = 4 : i64, tpu.core_type = #tpu.core_type<sc_vector_subcore>, window_params = [{transform_indices = #map}, {transform_indices = #map}, {transform_indices = #map}, {transform_indices = #map1}]} {
    %mul3A = arith.constant 16 : i32
    %mul3A_0 = arith.muli %arg0, %mul3A : i32
    %add3A = arith.addi %mul3A_0, %arg1 : i32
    %eq3A = arith.constant 0 : i32
    %eq3A_1 = arith.cmpi eq, %arg1, %eq3A : i32
    %convert_element_type3A = arith.extui %eq3A_1 : i1 to i32
    %cond3A = arith.constant 0 : i32
    %cond3A_2 = arith.cmpi ne, %convert_element_type3A, %cond3A : i32
    scf.if %cond3A_2 {
      "tpu.region"() ({
        %run_scoped3A = tpu.sem_alloc : memref<!tpu.dma_semaphore, #tpu.memory_space<semaphore_mem>>
        tpu.enqueue_dma source(%arg4 : memref<10240xf32, #tpu.memory_space<hbm>>) target(%arg8 : memref<10240xf32, #tpu.memory_space<vmem_shared>>) target_semaphore(%run_scoped3A : memref<!tpu.dma_semaphore, #tpu.memory_space<semaphore_mem>>)
        tpu.wait_dma2 semaphore(%run_scoped3A : memref<!tpu.dma_semaphore, #tpu.memory_space<semaphore_mem>>) src(%arg4 : memref<10240xf32, #tpu.memory_space<hbm>>) dst(%arg8 : memref<10240xf32, #tpu.memory_space<vmem_shared>>)
        tpu.yield
      }) : () -> ()
    } else {
    }
    "tpu.region"() ({
      %run_scoped3A = tpu.sem_alloc : memref<!tpu.dma_semaphore, #tpu.memory_space<semaphore_mem>>
      tpu.enqueue_dma source(%arg3 : memref<2000xf32, #tpu.memory_space<hbm>>) target(%arg7 : memref<2000xf32, #tpu.memory_space<vmem>>) target_semaphore(%run_scoped3A : memref<!tpu.dma_semaphore, #tpu.memory_space<semaphore_mem>>)
      tpu.wait_dma2 semaphore(%run_scoped3A : memref<!tpu.dma_semaphore, #tpu.memory_space<semaphore_mem>>) src(%arg3 : memref<2000xf32, #tpu.memory_space<hbm>>) dst(%arg7 : memref<2000xf32, #tpu.memory_space<vmem>>)
      tpu.yield
    }) : () -> ()
    %barrier3A = arith.constant 0 : index
    tpu.barrier barrier_id(%barrier3A)
    %scan3A = arith.constant 0 : i32
    %scan3A_3 = arith.constant 0 : i32
    %scan3A_4 = arith.constant 10 : i32
    %scan3A_5 = arith.addi %scan3A_3, %scan3A_4 : i32
    %scan3A_6 = arith.constant 1 : i32
    scf.for %scan3A_14 = %scan3A_3 to %scan3A_5 step %scan3A_6  : i32 {
      %mul3A_15 = arith.constant 20000 : i32
      %mul3A_16 = arith.muli %add3A, %mul3A_15 : i32
      %mul3A_17 = arith.constant 2000 : i32
      %mul3A_18 = arith.muli %scan3A_14, %mul3A_17 : i32
      %add3A_19 = arith.addi %mul3A_16, %mul3A_18 : i32
      "tpu.region"() ({
        %run_scoped3A = tpu.sem_alloc : memref<!tpu.dma_semaphore, #tpu.memory_space<semaphore_mem>>
        %dma_start3A = tpu.memref_slice %arg2[%add3A_19] : memref<640000xi32, #tpu.memory_space<hbm>> -> memref<2000xi32, #tpu.memory_space<hbm>>
        %dma_start3A_20 = tpu.memref_slice %arg2[%add3A_19] : memref<640000xi32, #tpu.memory_space<hbm>> -> memref<2000xi32, #tpu.memory_space<hbm>>
        tpu.enqueue_dma source(%dma_start3A_20 : memref<2000xi32, #tpu.memory_space<hbm>>) target(%arg6 : memref<2000xi32, #tpu.memory_space<vmem>>) target_semaphore(%run_scoped3A : memref<!tpu.dma_semaphore, #tpu.memory_space<semaphore_mem>>)
        %dma_wait3A = tpu.memref_slice %arg2[%add3A_19] : memref<640000xi32, #tpu.memory_space<hbm>> -> memref<2000xi32, #tpu.memory_space<hbm>>
        %dma_wait3A_21 = tpu.memref_slice %arg2[%add3A_19] : memref<640000xi32, #tpu.memory_space<hbm>> -> memref<2000xi32, #tpu.memory_space<hbm>>
        tpu.wait_dma2 semaphore(%run_scoped3A : memref<!tpu.dma_semaphore, #tpu.memory_space<semaphore_mem>>) src(%dma_wait3A_21 : memref<2000xi32, #tpu.memory_space<hbm>>) dst(%arg6 : memref<2000xi32, #tpu.memory_space<vmem>>)
        tpu.yield
      }) : () -> ()
      "tpu.region"() ({
        %run_scoped3A = tpu.sem_alloc : memref<!tpu.dma_semaphore, #tpu.memory_space<semaphore_mem>>
        %dma_start3A = arith.constant 0 : i32
        %dma_start3A_20 = tpu.memref_slice %arg8[%dma_start3A] : memref<10240xf32, #tpu.memory_space<vmem_shared>> -> memref<10240xf32, #tpu.memory_space<vmem_shared>>
        tpu.enqueue_indirect_dma source(%arg7 : memref<2000xf32, #tpu.memory_space<vmem>>) target(%dma_start3A_20 : memref<10240xf32, #tpu.memory_space<vmem_shared>>) offsets(%arg6 : memref<2000xi32, #tpu.memory_space<vmem>>) semaphore(%run_scoped3A : memref<!tpu.dma_semaphore, #tpu.memory_space<semaphore_mem>>) {add = true}
        %dma_wait3A = arith.constant 0 : i32
        %dma_wait3A_21 = tpu.memref_slice %arg8[%dma_wait3A] : memref<10240xf32, #tpu.memory_space<vmem_shared>> -> memref<10240xf32, #tpu.memory_space<vmem_shared>>
        tpu.wait_indirect_dma semaphore(%run_scoped3A : memref<!tpu.dma_semaphore, #tpu.memory_space<semaphore_mem>>) src(%arg7 : memref<2000xf32, #tpu.memory_space<vmem>>) dst(%dma_wait3A_21 : memref<10240xf32, #tpu.memory_space<vmem_shared>>)
        tpu.yield
      }) : () -> ()
    }
    %scan3A_7 = arith.constant 10 : i32
    %barrier3A_8 = arith.constant 0 : index
    tpu.barrier barrier_id(%barrier3A_8)
    %eq3A_9 = arith.constant 0 : i32
    %eq3A_10 = arith.cmpi eq, %arg1, %eq3A_9 : i32
    %convert_element_type3A_11 = arith.extui %eq3A_10 : i1 to i32
    %cond3A_12 = arith.constant 0 : i32
    %cond3A_13 = arith.cmpi ne, %convert_element_type3A_11, %cond3A_12 : i32
    scf.if %cond3A_13 {
      "tpu.region"() ({
        %run_scoped3A = tpu.sem_alloc : memref<!tpu.dma_semaphore, #tpu.memory_space<semaphore_mem>>
        %dma_start3A = arith.constant 0 : i32
        %dma_start3A_14 = tpu.memref_slice %arg5[%arg0, %dma_start3A] : memref<2x10240xf32, #tpu.memory_space<hbm>> -> memref<1x10240xf32, #tpu.memory_space<hbm>>
        %dma_start3A_15 = tpu.memref_squeeze %dma_start3A_14 : memref<1x10240xf32, #tpu.memory_space<hbm>> -> memref<10240xf32, #tpu.memory_space<hbm>>
        tpu.enqueue_dma source(%arg8 : memref<10240xf32, #tpu.memory_space<vmem_shared>>) target(%dma_start3A_15 : memref<10240xf32, #tpu.memory_space<hbm>>) target_semaphore(%run_scoped3A : memref<!tpu.dma_semaphore, #tpu.memory_space<semaphore_mem>>)
        %dma_wait3A = arith.constant 0 : i32
        %dma_wait3A_16 = tpu.memref_slice %arg5[%arg0, %dma_wait3A] : memref<2x10240xf32, #tpu.memory_space<hbm>> -> memref<1x10240xf32, #tpu.memory_space<hbm>>
        %dma_wait3A_17 = tpu.memref_squeeze %dma_wait3A_16 : memref<1x10240xf32, #tpu.memory_space<hbm>> -> memref<10240xf32, #tpu.memory_space<hbm>>
        tpu.wait_dma2 semaphore(%run_scoped3A : memref<!tpu.dma_semaphore, #tpu.memory_space<semaphore_mem>>) src(%arg8 : memref<10240xf32, #tpu.memory_space<vmem_shared>>) dst(%dma_wait3A_17 : memref<10240xf32, #tpu.memory_space<hbm>>)
        tpu.yield
      }) : () -> ()
    } else {
    }
    return
  }
}

#map = affine_map<(d0, d1) -> (0)>
#map1 = affine_map<(d0, d1) -> (0, 0)>
#map2 = affine_map<(d0, d1) -> (0, 0, 0)>
module attributes {stable_mosaic.version = 14 : i64} {
  func.func @_scat_body(%arg0: i32, %arg1: i32, %arg2: memref<655360xi32, #tpu.memory_space<hbm>>, %arg3: memref<655360xi32, #tpu.memory_space<hbm>>, %arg4: memref<10240x64xf32, #tpu.memory_space<hbm>>, %arg5: memref<10240x64xf32, #tpu.memory_space<hbm>>, %arg6: memref<2x10240x64xf32, #tpu.memory_space<hbm>>, %arg7: memref<512xi32, #tpu.memory_space<vmem>>, %arg8: memref<512xi32, #tpu.memory_space<vmem>>, %arg9: memref<512xi32, #tpu.memory_space<vmem>>, %arg10: memref<512xi32, #tpu.memory_space<vmem>>, %arg11: memref<512x64xf32, #tpu.memory_space<vmem>>, %arg12: memref<512x64xf32, #tpu.memory_space<vmem>>, %arg13: memref<10240x64xf32, #tpu.memory_space<vmem_shared>>, %arg14: memref<!tpu.dma_semaphore, #tpu.memory_space<semaphore_mem>>, %arg15: memref<!tpu.dma_semaphore, #tpu.memory_space<semaphore_mem>>) attributes {dimension_semantics = [#tpu.dimension_semantics<core_parallel>, #tpu.dimension_semantics<subcore_parallel>], iteration_bounds = array<i64: 2, 16>, scalar_prefetch = 0 : i64, scratch_operands = 9 : i64, tpu.core_type = #tpu.core_type<sc_vector_subcore>, window_params = [{transform_indices = #map}, {transform_indices = #map}, {transform_indices = #map1}, {transform_indices = #map1}, {transform_indices = #map2}]} {
    %mul3A = arith.constant 16 : i32
    %mul3A_0 = arith.muli %arg0, %mul3A : i32
    %add3A = arith.addi %mul3A_0, %arg1 : i32
    %mul3A_1 = arith.constant 20480 : i32
    %mul3A_2 = arith.muli %add3A, %mul3A_1 : i32
    %eq3A = arith.constant 0 : i32
    %eq3A_3 = arith.cmpi eq, %arg1, %eq3A : i32
    %convert_element_type3A = arith.extui %eq3A_3 : i1 to i32
    %cond3A = arith.constant 0 : i32
    %cond3A_4 = arith.cmpi ne, %convert_element_type3A, %cond3A : i32
    scf.if %cond3A_4 {
      "tpu.region"() ({
        %run_scoped3A = tpu.sem_alloc : memref<!tpu.dma_semaphore, #tpu.memory_space<semaphore_mem>>
        tpu.enqueue_dma source(%arg5 : memref<10240x64xf32, #tpu.memory_space<hbm>>) target(%arg13 : memref<10240x64xf32, #tpu.memory_space<vmem_shared>>) target_semaphore(%run_scoped3A : memref<!tpu.dma_semaphore, #tpu.memory_space<semaphore_mem>>)
        tpu.wait_dma2 semaphore(%run_scoped3A : memref<!tpu.dma_semaphore, #tpu.memory_space<semaphore_mem>>) src(%arg5 : memref<10240x64xf32, #tpu.memory_space<hbm>>) dst(%arg13 : memref<10240x64xf32, #tpu.memory_space<vmem_shared>>)
        tpu.yield
      }) : () -> ()
    } else {
    }
    %barrier3A = arith.constant 0 : index
    tpu.barrier barrier_id(%barrier3A)
    "tpu.region"() ({
      %run_scoped3A = tpu.sem_alloc : memref<!tpu.dma_semaphore, #tpu.memory_space<semaphore_mem>>
      %dma_start3A_18 = tpu.memref_slice %arg2[%mul3A_2] : memref<655360xi32, #tpu.memory_space<hbm>> -> memref<512xi32, #tpu.memory_space<hbm>>
      %dma_start3A_19 = tpu.memref_slice %arg2[%mul3A_2] : memref<655360xi32, #tpu.memory_space<hbm>> -> memref<512xi32, #tpu.memory_space<hbm>>
      tpu.enqueue_dma source(%dma_start3A_19 : memref<512xi32, #tpu.memory_space<hbm>>) target(%arg7 : memref<512xi32, #tpu.memory_space<vmem>>) target_semaphore(%run_scoped3A : memref<!tpu.dma_semaphore, #tpu.memory_space<semaphore_mem>>)
      %dma_wait3A = tpu.memref_slice %arg2[%mul3A_2] : memref<655360xi32, #tpu.memory_space<hbm>> -> memref<512xi32, #tpu.memory_space<hbm>>
      %dma_wait3A_20 = tpu.memref_slice %arg2[%mul3A_2] : memref<655360xi32, #tpu.memory_space<hbm>> -> memref<512xi32, #tpu.memory_space<hbm>>
      tpu.wait_dma2 semaphore(%run_scoped3A : memref<!tpu.dma_semaphore, #tpu.memory_space<semaphore_mem>>) src(%dma_wait3A_20 : memref<512xi32, #tpu.memory_space<hbm>>) dst(%arg7 : memref<512xi32, #tpu.memory_space<vmem>>)
      tpu.yield
    }) : () -> ()
    "tpu.region"() ({
      %run_scoped3A = tpu.sem_alloc : memref<!tpu.dma_semaphore, #tpu.memory_space<semaphore_mem>>
      %dma_start3A_18 = tpu.memref_slice %arg3[%mul3A_2] : memref<655360xi32, #tpu.memory_space<hbm>> -> memref<512xi32, #tpu.memory_space<hbm>>
      %dma_start3A_19 = tpu.memref_slice %arg3[%mul3A_2] : memref<655360xi32, #tpu.memory_space<hbm>> -> memref<512xi32, #tpu.memory_space<hbm>>
      tpu.enqueue_dma source(%dma_start3A_19 : memref<512xi32, #tpu.memory_space<hbm>>) target(%arg8 : memref<512xi32, #tpu.memory_space<vmem>>) target_semaphore(%run_scoped3A : memref<!tpu.dma_semaphore, #tpu.memory_space<semaphore_mem>>)
      %dma_wait3A = tpu.memref_slice %arg3[%mul3A_2] : memref<655360xi32, #tpu.memory_space<hbm>> -> memref<512xi32, #tpu.memory_space<hbm>>
      %dma_wait3A_20 = tpu.memref_slice %arg3[%mul3A_2] : memref<655360xi32, #tpu.memory_space<hbm>> -> memref<512xi32, #tpu.memory_space<hbm>>
      tpu.wait_dma2 semaphore(%run_scoped3A : memref<!tpu.dma_semaphore, #tpu.memory_space<semaphore_mem>>) src(%dma_wait3A_20 : memref<512xi32, #tpu.memory_space<hbm>>) dst(%arg8 : memref<512xi32, #tpu.memory_space<vmem>>)
      tpu.yield
    }) : () -> ()
    %dma_start3A = arith.constant 0 : i32
    %dma_start3A_5 = arith.constant 0 : i32
    %dma_start3A_6 = tpu.memref_slice %arg4[%dma_start3A, %dma_start3A_5] : memref<10240x64xf32, #tpu.memory_space<hbm>> -> memref<10240x64xf32, #tpu.memory_space<hbm>>
    tpu.enqueue_indirect_dma source(%dma_start3A_6 : memref<10240x64xf32, #tpu.memory_space<hbm>>) target(%arg11 : memref<512x64xf32, #tpu.memory_space<vmem>>) offsets(%arg7 : memref<512xi32, #tpu.memory_space<vmem>>) semaphore(%arg14 : memref<!tpu.dma_semaphore, #tpu.memory_space<semaphore_mem>>)
    %scan3A = arith.constant 0 : i32
    %scan3A_7 = arith.constant 0 : i32
    %scan3A_8 = arith.constant 20 : i32
    %scan3A_9 = arith.addi %scan3A_7, %scan3A_8 : i32
    %scan3A_10 = arith.constant 1 : i32
    scf.for %scan3A_18 = %scan3A_7 to %scan3A_9 step %scan3A_10  : i32 {
      %mul3A_19 = arith.constant 2 : i32
      %mul3A_20 = arith.muli %mul3A_19, %scan3A_18 : i32
      %add3A_21 = arith.constant 1 : i32
      %add3A_22 = arith.addi %mul3A_20, %add3A_21 : i32
      %mul3A_23 = arith.constant 512 : i32
      %mul3A_24 = arith.muli %add3A_22, %mul3A_23 : i32
      %add3A_25 = arith.addi %mul3A_2, %mul3A_24 : i32
      "tpu.region"() ({
        %run_scoped3A = tpu.sem_alloc : memref<!tpu.dma_semaphore, #tpu.memory_space<semaphore_mem>>
        %dma_start3A_38 = tpu.memref_slice %arg2[%add3A_25] : memref<655360xi32, #tpu.memory_space<hbm>> -> memref<512xi32, #tpu.memory_space<hbm>>
        %dma_start3A_39 = tpu.memref_slice %arg2[%add3A_25] : memref<655360xi32, #tpu.memory_space<hbm>> -> memref<512xi32, #tpu.memory_space<hbm>>
        tpu.enqueue_dma source(%dma_start3A_39 : memref<512xi32, #tpu.memory_space<hbm>>) target(%arg9 : memref<512xi32, #tpu.memory_space<vmem>>) target_semaphore(%run_scoped3A : memref<!tpu.dma_semaphore, #tpu.memory_space<semaphore_mem>>)
        %dma_wait3A_40 = tpu.memref_slice %arg2[%add3A_25] : memref<655360xi32, #tpu.memory_space<hbm>> -> memref<512xi32, #tpu.memory_space<hbm>>
        %dma_wait3A_41 = tpu.memref_slice %arg2[%add3A_25] : memref<655360xi32, #tpu.memory_space<hbm>> -> memref<512xi32, #tpu.memory_space<hbm>>
        tpu.wait_dma2 semaphore(%run_scoped3A : memref<!tpu.dma_semaphore, #tpu.memory_space<semaphore_mem>>) src(%dma_wait3A_41 : memref<512xi32, #tpu.memory_space<hbm>>) dst(%arg9 : memref<512xi32, #tpu.memory_space<vmem>>)
        tpu.yield
      }) : () -> ()
      "tpu.region"() ({
        %run_scoped3A = tpu.sem_alloc : memref<!tpu.dma_semaphore, #tpu.memory_space<semaphore_mem>>
        %dma_start3A_38 = tpu.memref_slice %arg3[%add3A_25] : memref<655360xi32, #tpu.memory_space<hbm>> -> memref<512xi32, #tpu.memory_space<hbm>>
        %dma_start3A_39 = tpu.memref_slice %arg3[%add3A_25] : memref<655360xi32, #tpu.memory_space<hbm>> -> memref<512xi32, #tpu.memory_space<hbm>>
        tpu.enqueue_dma source(%dma_start3A_39 : memref<512xi32, #tpu.memory_space<hbm>>) target(%arg10 : memref<512xi32, #tpu.memory_space<vmem>>) target_semaphore(%run_scoped3A : memref<!tpu.dma_semaphore, #tpu.memory_space<semaphore_mem>>)
        %dma_wait3A_40 = tpu.memref_slice %arg3[%add3A_25] : memref<655360xi32, #tpu.memory_space<hbm>> -> memref<512xi32, #tpu.memory_space<hbm>>
        %dma_wait3A_41 = tpu.memref_slice %arg3[%add3A_25] : memref<655360xi32, #tpu.memory_space<hbm>> -> memref<512xi32, #tpu.memory_space<hbm>>
        tpu.wait_dma2 semaphore(%run_scoped3A : memref<!tpu.dma_semaphore, #tpu.memory_space<semaphore_mem>>) src(%dma_wait3A_41 : memref<512xi32, #tpu.memory_space<hbm>>) dst(%arg10 : memref<512xi32, #tpu.memory_space<vmem>>)
        tpu.yield
      }) : () -> ()
      %dma_start3A_26 = arith.constant 0 : i32
      %dma_start3A_27 = arith.constant 0 : i32
      %dma_start3A_28 = tpu.memref_slice %arg4[%dma_start3A_26, %dma_start3A_27] : memref<10240x64xf32, #tpu.memory_space<hbm>> -> memref<10240x64xf32, #tpu.memory_space<hbm>>
      tpu.enqueue_indirect_dma source(%dma_start3A_28 : memref<10240x64xf32, #tpu.memory_space<hbm>>) target(%arg12 : memref<512x64xf32, #tpu.memory_space<vmem>>) offsets(%arg9 : memref<512xi32, #tpu.memory_space<vmem>>) semaphore(%arg15 : memref<!tpu.dma_semaphore, #tpu.memory_space<semaphore_mem>>)
      %dma_wait3A = arith.constant 0 : i32
      %dma_wait3A_29 = arith.constant 0 : i32
      %dma_wait3A_30 = tpu.memref_slice %arg4[%dma_wait3A, %dma_wait3A_29] : memref<10240x64xf32, #tpu.memory_space<hbm>> -> memref<10240x64xf32, #tpu.memory_space<hbm>>
      tpu.wait_indirect_dma semaphore(%arg14 : memref<!tpu.dma_semaphore, #tpu.memory_space<semaphore_mem>>) src(%dma_wait3A_30 : memref<10240x64xf32, #tpu.memory_space<hbm>>) dst(%arg11 : memref<512x64xf32, #tpu.memory_space<vmem>>)
      "tpu.region"() ({
        %run_scoped3A = tpu.sem_alloc : memref<!tpu.dma_semaphore, #tpu.memory_space<semaphore_mem>>
        %dma_start3A_38 = arith.constant 0 : i32
        %dma_start3A_39 = arith.constant 0 : i32
        %dma_start3A_40 = tpu.memref_slice %arg13[%dma_start3A_38, %dma_start3A_39] : memref<10240x64xf32, #tpu.memory_space<vmem_shared>> -> memref<10240x64xf32, #tpu.memory_space<vmem_shared>>
        tpu.enqueue_indirect_dma source(%arg11 : memref<512x64xf32, #tpu.memory_space<vmem>>) target(%dma_start3A_40 : memref<10240x64xf32, #tpu.memory_space<vmem_shared>>) offsets(%arg8 : memref<512xi32, #tpu.memory_space<vmem>>) semaphore(%run_scoped3A : memref<!tpu.dma_semaphore, #tpu.memory_space<semaphore_mem>>) {add = true}
        %dma_wait3A_41 = arith.constant 0 : i32
        %dma_wait3A_42 = arith.constant 0 : i32
        %dma_wait3A_43 = tpu.memref_slice %arg13[%dma_wait3A_41, %dma_wait3A_42] : memref<10240x64xf32, #tpu.memory_space<vmem_shared>> -> memref<10240x64xf32, #tpu.memory_space<vmem_shared>>
        tpu.wait_indirect_dma semaphore(%run_scoped3A : memref<!tpu.dma_semaphore, #tpu.memory_space<semaphore_mem>>) src(%arg11 : memref<512x64xf32, #tpu.memory_space<vmem>>) dst(%dma_wait3A_43 : memref<10240x64xf32, #tpu.memory_space<vmem_shared>>)
        tpu.yield
      }) : () -> ()
      %lt3A = arith.constant 19 : i32
      %lt3A_31 = arith.cmpi slt, %scan3A_18, %lt3A : i32
      %convert_element_type3A_32 = arith.extui %lt3A_31 : i1 to i32
      %cond3A_33 = arith.constant 0 : i32
      %cond3A_34 = arith.cmpi ne, %convert_element_type3A_32, %cond3A_33 : i32
      scf.if %cond3A_34 {
        %mul3A_38 = arith.constant 2 : i32
        %mul3A_39 = arith.muli %mul3A_38, %scan3A_18 : i32
        %add3A_40 = arith.constant 2 : i32
        %add3A_41 = arith.addi %mul3A_39, %add3A_40 : i32
        %mul3A_42 = arith.constant 512 : i32
        %mul3A_43 = arith.muli %add3A_41, %mul3A_42 : i32
        %add3A_44 = arith.addi %mul3A_2, %mul3A_43 : i32
        "tpu.region"() ({
          %run_scoped3A = tpu.sem_alloc : memref<!tpu.dma_semaphore, #tpu.memory_space<semaphore_mem>>
          %dma_start3A_48 = tpu.memref_slice %arg2[%add3A_44] : memref<655360xi32, #tpu.memory_space<hbm>> -> memref<512xi32, #tpu.memory_space<hbm>>
          %dma_start3A_49 = tpu.memref_slice %arg2[%add3A_44] : memref<655360xi32, #tpu.memory_space<hbm>> -> memref<512xi32, #tpu.memory_space<hbm>>
          tpu.enqueue_dma source(%dma_start3A_49 : memref<512xi32, #tpu.memory_space<hbm>>) target(%arg7 : memref<512xi32, #tpu.memory_space<vmem>>) target_semaphore(%run_scoped3A : memref<!tpu.dma_semaphore, #tpu.memory_space<semaphore_mem>>)
          %dma_wait3A_50 = tpu.memref_slice %arg2[%add3A_44] : memref<655360xi32, #tpu.memory_space<hbm>> -> memref<512xi32, #tpu.memory_space<hbm>>
          %dma_wait3A_51 = tpu.memref_slice %arg2[%add3A_44] : memref<655360xi32, #tpu.memory_space<hbm>> -> memref<512xi32, #tpu.memory_space<hbm>>
          tpu.wait_dma2 semaphore(%run_scoped3A : memref<!tpu.dma_semaphore, #tpu.memory_space<semaphore_mem>>) src(%dma_wait3A_51 : memref<512xi32, #tpu.memory_space<hbm>>) dst(%arg7 : memref<512xi32, #tpu.memory_space<vmem>>)
          tpu.yield
        }) : () -> ()
        "tpu.region"() ({
          %run_scoped3A = tpu.sem_alloc : memref<!tpu.dma_semaphore, #tpu.memory_space<semaphore_mem>>
          %dma_start3A_48 = tpu.memref_slice %arg3[%add3A_44] : memref<655360xi32, #tpu.memory_space<hbm>> -> memref<512xi32, #tpu.memory_space<hbm>>
          %dma_start3A_49 = tpu.memref_slice %arg3[%add3A_44] : memref<655360xi32, #tpu.memory_space<hbm>> -> memref<512xi32, #tpu.memory_space<hbm>>
          tpu.enqueue_dma source(%dma_start3A_49 : memref<512xi32, #tpu.memory_space<hbm>>) target(%arg8 : memref<512xi32, #tpu.memory_space<vmem>>) target_semaphore(%run_scoped3A : memref<!tpu.dma_semaphore, #tpu.memory_space<semaphore_mem>>)
          %dma_wait3A_50 = tpu.memref_slice %arg3[%add3A_44] : memref<655360xi32, #tpu.memory_space<hbm>> -> memref<512xi32, #tpu.memory_space<hbm>>
          %dma_wait3A_51 = tpu.memref_slice %arg3[%add3A_44] : memref<655360xi32, #tpu.memory_space<hbm>> -> memref<512xi32, #tpu.memory_space<hbm>>
          tpu.wait_dma2 semaphore(%run_scoped3A : memref<!tpu.dma_semaphore, #tpu.memory_space<semaphore_mem>>) src(%dma_wait3A_51 : memref<512xi32, #tpu.memory_space<hbm>>) dst(%arg8 : memref<512xi32, #tpu.memory_space<vmem>>)
          tpu.yield
        }) : () -> ()
        %dma_start3A_45 = arith.constant 0 : i32
        %dma_start3A_46 = arith.constant 0 : i32
        %dma_start3A_47 = tpu.memref_slice %arg4[%dma_start3A_45, %dma_start3A_46] : memref<10240x64xf32, #tpu.memory_space<hbm>> -> memref<10240x64xf32, #tpu.memory_space<hbm>>
        tpu.enqueue_indirect_dma source(%dma_start3A_47 : memref<10240x64xf32, #tpu.memory_space<hbm>>) target(%arg11 : memref<512x64xf32, #tpu.memory_space<vmem>>) offsets(%arg7 : memref<512xi32, #tpu.memory_space<vmem>>) semaphore(%arg14 : memref<!tpu.dma_semaphore, #tpu.memory_space<semaphore_mem>>)
      } else {
      }
      %dma_wait3A_35 = arith.constant 0 : i32
      %dma_wait3A_36 = arith.constant 0 : i32
      %dma_wait3A_37 = tpu.memref_slice %arg4[%dma_wait3A_35, %dma_wait3A_36] : memref<10240x64xf32, #tpu.memory_space<hbm>> -> memref<10240x64xf32, #tpu.memory_space<hbm>>
      tpu.wait_indirect_dma semaphore(%arg15 : memref<!tpu.dma_semaphore, #tpu.memory_space<semaphore_mem>>) src(%dma_wait3A_37 : memref<10240x64xf32, #tpu.memory_space<hbm>>) dst(%arg12 : memref<512x64xf32, #tpu.memory_space<vmem>>)
      "tpu.region"() ({
        %run_scoped3A = tpu.sem_alloc : memref<!tpu.dma_semaphore, #tpu.memory_space<semaphore_mem>>
        %dma_start3A_38 = arith.constant 0 : i32
        %dma_start3A_39 = arith.constant 0 : i32
        %dma_start3A_40 = tpu.memref_slice %arg13[%dma_start3A_38, %dma_start3A_39] : memref<10240x64xf32, #tpu.memory_space<vmem_shared>> -> memref<10240x64xf32, #tpu.memory_space<vmem_shared>>
        tpu.enqueue_indirect_dma source(%arg12 : memref<512x64xf32, #tpu.memory_space<vmem>>) target(%dma_start3A_40 : memref<10240x64xf32, #tpu.memory_space<vmem_shared>>) offsets(%arg10 : memref<512xi32, #tpu.memory_space<vmem>>) semaphore(%run_scoped3A : memref<!tpu.dma_semaphore, #tpu.memory_space<semaphore_mem>>) {add = true}
        %dma_wait3A_41 = arith.constant 0 : i32
        %dma_wait3A_42 = arith.constant 0 : i32
        %dma_wait3A_43 = tpu.memref_slice %arg13[%dma_wait3A_41, %dma_wait3A_42] : memref<10240x64xf32, #tpu.memory_space<vmem_shared>> -> memref<10240x64xf32, #tpu.memory_space<vmem_shared>>
        tpu.wait_indirect_dma semaphore(%run_scoped3A : memref<!tpu.dma_semaphore, #tpu.memory_space<semaphore_mem>>) src(%arg12 : memref<512x64xf32, #tpu.memory_space<vmem>>) dst(%dma_wait3A_43 : memref<10240x64xf32, #tpu.memory_space<vmem_shared>>)
        tpu.yield
      }) : () -> ()
    }
    %scan3A_11 = arith.constant 20 : i32
    %barrier3A_12 = arith.constant 0 : index
    tpu.barrier barrier_id(%barrier3A_12)
    %eq3A_13 = arith.constant 0 : i32
    %eq3A_14 = arith.cmpi eq, %arg1, %eq3A_13 : i32
    %convert_element_type3A_15 = arith.extui %eq3A_14 : i1 to i32
    %cond3A_16 = arith.constant 0 : i32
    %cond3A_17 = arith.cmpi ne, %convert_element_type3A_15, %cond3A_16 : i32
    scf.if %cond3A_17 {
      "tpu.region"() ({
        %run_scoped3A = tpu.sem_alloc : memref<!tpu.dma_semaphore, #tpu.memory_space<semaphore_mem>>
        %dma_start3A_18 = arith.constant 0 : i32
        %dma_start3A_19 = arith.constant 0 : i32
        %dma_start3A_20 = tpu.memref_slice %arg6[%arg0, %dma_start3A_18, %dma_start3A_19] : memref<2x10240x64xf32, #tpu.memory_space<hbm>> -> memref<1x10240x64xf32, #tpu.memory_space<hbm>>
        %dma_start3A_21 = tpu.memref_squeeze %dma_start3A_20 : memref<1x10240x64xf32, #tpu.memory_space<hbm>> -> memref<10240x64xf32, #tpu.memory_space<hbm>>
        tpu.enqueue_dma source(%arg13 : memref<10240x64xf32, #tpu.memory_space<vmem_shared>>) target(%dma_start3A_21 : memref<10240x64xf32, #tpu.memory_space<hbm>>) target_semaphore(%run_scoped3A : memref<!tpu.dma_semaphore, #tpu.memory_space<semaphore_mem>>)
        %dma_wait3A = arith.constant 0 : i32
        %dma_wait3A_22 = arith.constant 0 : i32
        %dma_wait3A_23 = tpu.memref_slice %arg6[%arg0, %dma_wait3A, %dma_wait3A_22] : memref<2x10240x64xf32, #tpu.memory_space<hbm>> -> memref<1x10240x64xf32, #tpu.memory_space<hbm>>
        %dma_wait3A_24 = tpu.memref_squeeze %dma_wait3A_23 : memref<1x10240x64xf32, #tpu.memory_space<hbm>> -> memref<10240x64xf32, #tpu.memory_space<hbm>>
        tpu.wait_dma2 semaphore(%run_scoped3A : memref<!tpu.dma_semaphore, #tpu.memory_space<semaphore_mem>>) src(%arg13 : memref<10240x64xf32, #tpu.memory_space<vmem_shared>>) dst(%dma_wait3A_24 : memref<10240x64xf32, #tpu.memory_space<hbm>>)
        tpu.yield
      }) : () -> ()
    } else {
    }
    return
  }
}

#map = affine_map<(d0, d1) -> (0)>
#map1 = affine_map<(d0, d1) -> (0, 0)>
#map2 = affine_map<(d0, d1) -> (0, 0, 0)>
module attributes {stable_mosaic.version = 14 : i64} {
  func.func @_scat_body(%arg0: i32, %arg1: i32, %arg2: memref<655360xi32, #tpu.memory_space<hbm>>, %arg3: memref<655360xi32, #tpu.memory_space<hbm>>, %arg4: memref<10240x64xf32, #tpu.memory_space<hbm>>, %arg5: memref<10240x64xf32, #tpu.memory_space<hbm>>, %arg6: memref<2x10240x64xf32, #tpu.memory_space<hbm>>, %arg7: memref<512xi32, #tpu.memory_space<vmem>>, %arg8: memref<512xi32, #tpu.memory_space<vmem>>, %arg9: memref<512xi32, #tpu.memory_space<vmem>>, %arg10: memref<512xi32, #tpu.memory_space<vmem>>, %arg11: memref<512x64xf32, #tpu.memory_space<vmem>>, %arg12: memref<512x64xf32, #tpu.memory_space<vmem>>, %arg13: memref<10240x64xf32, #tpu.memory_space<vmem_shared>>, %arg14: memref<!tpu.dma_semaphore, #tpu.memory_space<semaphore_mem>>, %arg15: memref<!tpu.dma_semaphore, #tpu.memory_space<semaphore_mem>>) attributes {dimension_semantics = [#tpu.dimension_semantics<core_parallel>, #tpu.dimension_semantics<subcore_parallel>], iteration_bounds = array<i64: 2, 16>, scalar_prefetch = 0 : i64, scratch_operands = 9 : i64, tpu.core_type = #tpu.core_type<sc_vector_subcore>, window_params = [{transform_indices = #map}, {transform_indices = #map}, {transform_indices = #map1}, {transform_indices = #map1}, {transform_indices = #map2}]} {
    %mul3A = arith.constant 16 : i32
    %mul3A_0 = arith.muli %arg0, %mul3A : i32
    %add3A = arith.addi %mul3A_0, %arg1 : i32
    %mul3A_1 = arith.constant 20480 : i32
    %mul3A_2 = arith.muli %add3A, %mul3A_1 : i32
    %eq3A = arith.constant 0 : i32
    %eq3A_3 = arith.cmpi eq, %arg1, %eq3A : i32
    %convert_element_type3A = arith.extui %eq3A_3 : i1 to i32
    %cond3A = arith.constant 0 : i32
    %cond3A_4 = arith.cmpi ne, %convert_element_type3A, %cond3A : i32
    scf.if %cond3A_4 {
      "tpu.region"() ({
        %run_scoped3A = tpu.sem_alloc : memref<!tpu.dma_semaphore, #tpu.memory_space<semaphore_mem>>
        tpu.enqueue_dma source(%arg5 : memref<10240x64xf32, #tpu.memory_space<hbm>>) target(%arg13 : memref<10240x64xf32, #tpu.memory_space<vmem_shared>>) target_semaphore(%run_scoped3A : memref<!tpu.dma_semaphore, #tpu.memory_space<semaphore_mem>>)
        tpu.wait_dma2 semaphore(%run_scoped3A : memref<!tpu.dma_semaphore, #tpu.memory_space<semaphore_mem>>) src(%arg5 : memref<10240x64xf32, #tpu.memory_space<hbm>>) dst(%arg13 : memref<10240x64xf32, #tpu.memory_space<vmem_shared>>)
        tpu.yield
      }) : () -> ()
    } else {
    }
    %barrier3A = arith.constant 0 : index
    tpu.barrier barrier_id(%barrier3A)
    "tpu.region"() ({
      %run_scoped3A = tpu.sem_alloc : memref<!tpu.dma_semaphore, #tpu.memory_space<semaphore_mem>>
      %dma_start3A_18 = tpu.memref_slice %arg2[%mul3A_2] : memref<655360xi32, #tpu.memory_space<hbm>> -> memref<512xi32, #tpu.memory_space<hbm>>
      %dma_start3A_19 = tpu.memref_slice %arg2[%mul3A_2] : memref<655360xi32, #tpu.memory_space<hbm>> -> memref<512xi32, #tpu.memory_space<hbm>>
      tpu.enqueue_dma source(%dma_start3A_19 : memref<512xi32, #tpu.memory_space<hbm>>) target(%arg7 : memref<512xi32, #tpu.memory_space<vmem>>) target_semaphore(%run_scoped3A : memref<!tpu.dma_semaphore, #tpu.memory_space<semaphore_mem>>)
      %dma_wait3A = tpu.memref_slice %arg2[%mul3A_2] : memref<655360xi32, #tpu.memory_space<hbm>> -> memref<512xi32, #tpu.memory_space<hbm>>
      %dma_wait3A_20 = tpu.memref_slice %arg2[%mul3A_2] : memref<655360xi32, #tpu.memory_space<hbm>> -> memref<512xi32, #tpu.memory_space<hbm>>
      tpu.wait_dma2 semaphore(%run_scoped3A : memref<!tpu.dma_semaphore, #tpu.memory_space<semaphore_mem>>) src(%dma_wait3A_20 : memref<512xi32, #tpu.memory_space<hbm>>) dst(%arg7 : memref<512xi32, #tpu.memory_space<vmem>>)
      tpu.yield
    }) : () -> ()
    "tpu.region"() ({
      %run_scoped3A = tpu.sem_alloc : memref<!tpu.dma_semaphore, #tpu.memory_space<semaphore_mem>>
      %dma_start3A_18 = tpu.memref_slice %arg3[%mul3A_2] : memref<655360xi32, #tpu.memory_space<hbm>> -> memref<512xi32, #tpu.memory_space<hbm>>
      %dma_start3A_19 = tpu.memref_slice %arg3[%mul3A_2] : memref<655360xi32, #tpu.memory_space<hbm>> -> memref<512xi32, #tpu.memory_space<hbm>>
      tpu.enqueue_dma source(%dma_start3A_19 : memref<512xi32, #tpu.memory_space<hbm>>) target(%arg8 : memref<512xi32, #tpu.memory_space<vmem>>) target_semaphore(%run_scoped3A : memref<!tpu.dma_semaphore, #tpu.memory_space<semaphore_mem>>)
      %dma_wait3A = tpu.memref_slice %arg3[%mul3A_2] : memref<655360xi32, #tpu.memory_space<hbm>> -> memref<512xi32, #tpu.memory_space<hbm>>
      %dma_wait3A_20 = tpu.memref_slice %arg3[%mul3A_2] : memref<655360xi32, #tpu.memory_space<hbm>> -> memref<512xi32, #tpu.memory_space<hbm>>
      tpu.wait_dma2 semaphore(%run_scoped3A : memref<!tpu.dma_semaphore, #tpu.memory_space<semaphore_mem>>) src(%dma_wait3A_20 : memref<512xi32, #tpu.memory_space<hbm>>) dst(%arg8 : memref<512xi32, #tpu.memory_space<vmem>>)
      tpu.yield
    }) : () -> ()
    %dma_start3A = arith.constant 0 : i32
    %dma_start3A_5 = arith.constant 0 : i32
    %dma_start3A_6 = tpu.memref_slice %arg4[%dma_start3A, %dma_start3A_5] : memref<10240x64xf32, #tpu.memory_space<hbm>> -> memref<10240x64xf32, #tpu.memory_space<hbm>>
    tpu.enqueue_indirect_dma source(%dma_start3A_6 : memref<10240x64xf32, #tpu.memory_space<hbm>>) target(%arg11 : memref<512x64xf32, #tpu.memory_space<vmem>>) offsets(%arg7 : memref<512xi32, #tpu.memory_space<vmem>>) semaphore(%arg14 : memref<!tpu.dma_semaphore, #tpu.memory_space<semaphore_mem>>)
    %scan3A = arith.constant 0 : i32
    %scan3A_7 = arith.constant 0 : i32
    %scan3A_8 = arith.constant 20 : i32
    %scan3A_9 = arith.addi %scan3A_7, %scan3A_8 : i32
    %scan3A_10 = arith.constant 1 : i32
    scf.for %scan3A_18 = %scan3A_7 to %scan3A_9 step %scan3A_10  : i32 {
      %mul3A_19 = arith.constant 2 : i32
      %mul3A_20 = arith.muli %mul3A_19, %scan3A_18 : i32
      %add3A_21 = arith.constant 1 : i32
      %add3A_22 = arith.addi %mul3A_20, %add3A_21 : i32
      %mul3A_23 = arith.constant 512 : i32
      %mul3A_24 = arith.muli %add3A_22, %mul3A_23 : i32
      %add3A_25 = arith.addi %mul3A_2, %mul3A_24 : i32
      "tpu.region"() ({
        %run_scoped3A = tpu.sem_alloc : memref<!tpu.dma_semaphore, #tpu.memory_space<semaphore_mem>>
        %dma_start3A_38 = tpu.memref_slice %arg2[%add3A_25] : memref<655360xi32, #tpu.memory_space<hbm>> -> memref<512xi32, #tpu.memory_space<hbm>>
        %dma_start3A_39 = tpu.memref_slice %arg2[%add3A_25] : memref<655360xi32, #tpu.memory_space<hbm>> -> memref<512xi32, #tpu.memory_space<hbm>>
        tpu.enqueue_dma source(%dma_start3A_39 : memref<512xi32, #tpu.memory_space<hbm>>) target(%arg9 : memref<512xi32, #tpu.memory_space<vmem>>) target_semaphore(%run_scoped3A : memref<!tpu.dma_semaphore, #tpu.memory_space<semaphore_mem>>)
        %dma_wait3A_40 = tpu.memref_slice %arg2[%add3A_25] : memref<655360xi32, #tpu.memory_space<hbm>> -> memref<512xi32, #tpu.memory_space<hbm>>
        %dma_wait3A_41 = tpu.memref_slice %arg2[%add3A_25] : memref<655360xi32, #tpu.memory_space<hbm>> -> memref<512xi32, #tpu.memory_space<hbm>>
        tpu.wait_dma2 semaphore(%run_scoped3A : memref<!tpu.dma_semaphore, #tpu.memory_space<semaphore_mem>>) src(%dma_wait3A_41 : memref<512xi32, #tpu.memory_space<hbm>>) dst(%arg9 : memref<512xi32, #tpu.memory_space<vmem>>)
        tpu.yield
      }) : () -> ()
      "tpu.region"() ({
        %run_scoped3A = tpu.sem_alloc : memref<!tpu.dma_semaphore, #tpu.memory_space<semaphore_mem>>
        %dma_start3A_38 = tpu.memref_slice %arg3[%add3A_25] : memref<655360xi32, #tpu.memory_space<hbm>> -> memref<512xi32, #tpu.memory_space<hbm>>
        %dma_start3A_39 = tpu.memref_slice %arg3[%add3A_25] : memref<655360xi32, #tpu.memory_space<hbm>> -> memref<512xi32, #tpu.memory_space<hbm>>
        tpu.enqueue_dma source(%dma_start3A_39 : memref<512xi32, #tpu.memory_space<hbm>>) target(%arg10 : memref<512xi32, #tpu.memory_space<vmem>>) target_semaphore(%run_scoped3A : memref<!tpu.dma_semaphore, #tpu.memory_space<semaphore_mem>>)
        %dma_wait3A_40 = tpu.memref_slice %arg3[%add3A_25] : memref<655360xi32, #tpu.memory_space<hbm>> -> memref<512xi32, #tpu.memory_space<hbm>>
        %dma_wait3A_41 = tpu.memref_slice %arg3[%add3A_25] : memref<655360xi32, #tpu.memory_space<hbm>> -> memref<512xi32, #tpu.memory_space<hbm>>
        tpu.wait_dma2 semaphore(%run_scoped3A : memref<!tpu.dma_semaphore, #tpu.memory_space<semaphore_mem>>) src(%dma_wait3A_41 : memref<512xi32, #tpu.memory_space<hbm>>) dst(%arg10 : memref<512xi32, #tpu.memory_space<vmem>>)
        tpu.yield
      }) : () -> ()
      %dma_start3A_26 = arith.constant 0 : i32
      %dma_start3A_27 = arith.constant 0 : i32
      %dma_start3A_28 = tpu.memref_slice %arg4[%dma_start3A_26, %dma_start3A_27] : memref<10240x64xf32, #tpu.memory_space<hbm>> -> memref<10240x64xf32, #tpu.memory_space<hbm>>
      tpu.enqueue_indirect_dma source(%dma_start3A_28 : memref<10240x64xf32, #tpu.memory_space<hbm>>) target(%arg12 : memref<512x64xf32, #tpu.memory_space<vmem>>) offsets(%arg9 : memref<512xi32, #tpu.memory_space<vmem>>) semaphore(%arg15 : memref<!tpu.dma_semaphore, #tpu.memory_space<semaphore_mem>>)
      %dma_wait3A = arith.constant 0 : i32
      %dma_wait3A_29 = arith.constant 0 : i32
      %dma_wait3A_30 = tpu.memref_slice %arg4[%dma_wait3A, %dma_wait3A_29] : memref<10240x64xf32, #tpu.memory_space<hbm>> -> memref<10240x64xf32, #tpu.memory_space<hbm>>
      tpu.wait_indirect_dma semaphore(%arg14 : memref<!tpu.dma_semaphore, #tpu.memory_space<semaphore_mem>>) src(%dma_wait3A_30 : memref<10240x64xf32, #tpu.memory_space<hbm>>) dst(%arg11 : memref<512x64xf32, #tpu.memory_space<vmem>>)
      "tpu.region"() ({
        %run_scoped3A = tpu.sem_alloc : memref<!tpu.dma_semaphore, #tpu.memory_space<semaphore_mem>>
        %dma_start3A_38 = arith.constant 0 : i32
        %dma_start3A_39 = arith.constant 0 : i32
        %dma_start3A_40 = tpu.memref_slice %arg13[%dma_start3A_38, %dma_start3A_39] : memref<10240x64xf32, #tpu.memory_space<vmem_shared>> -> memref<10240x64xf32, #tpu.memory_space<vmem_shared>>
        tpu.enqueue_indirect_dma source(%arg11 : memref<512x64xf32, #tpu.memory_space<vmem>>) target(%dma_start3A_40 : memref<10240x64xf32, #tpu.memory_space<vmem_shared>>) offsets(%arg8 : memref<512xi32, #tpu.memory_space<vmem>>) semaphore(%run_scoped3A : memref<!tpu.dma_semaphore, #tpu.memory_space<semaphore_mem>>) {add = true}
        %dma_wait3A_41 = arith.constant 0 : i32
        %dma_wait3A_42 = arith.constant 0 : i32
        %dma_wait3A_43 = tpu.memref_slice %arg13[%dma_wait3A_41, %dma_wait3A_42] : memref<10240x64xf32, #tpu.memory_space<vmem_shared>> -> memref<10240x64xf32, #tpu.memory_space<vmem_shared>>
        tpu.wait_indirect_dma semaphore(%run_scoped3A : memref<!tpu.dma_semaphore, #tpu.memory_space<semaphore_mem>>) src(%arg11 : memref<512x64xf32, #tpu.memory_space<vmem>>) dst(%dma_wait3A_43 : memref<10240x64xf32, #tpu.memory_space<vmem_shared>>)
        tpu.yield
      }) : () -> ()
      %lt3A = arith.constant 19 : i32
      %lt3A_31 = arith.cmpi slt, %scan3A_18, %lt3A : i32
      %convert_element_type3A_32 = arith.extui %lt3A_31 : i1 to i32
      %cond3A_33 = arith.constant 0 : i32
      %cond3A_34 = arith.cmpi ne, %convert_element_type3A_32, %cond3A_33 : i32
      scf.if %cond3A_34 {
        %mul3A_38 = arith.constant 2 : i32
        %mul3A_39 = arith.muli %mul3A_38, %scan3A_18 : i32
        %add3A_40 = arith.constant 2 : i32
        %add3A_41 = arith.addi %mul3A_39, %add3A_40 : i32
        %mul3A_42 = arith.constant 512 : i32
        %mul3A_43 = arith.muli %add3A_41, %mul3A_42 : i32
        %add3A_44 = arith.addi %mul3A_2, %mul3A_43 : i32
        "tpu.region"() ({
          %run_scoped3A = tpu.sem_alloc : memref<!tpu.dma_semaphore, #tpu.memory_space<semaphore_mem>>
          %dma_start3A_48 = tpu.memref_slice %arg2[%add3A_44] : memref<655360xi32, #tpu.memory_space<hbm>> -> memref<512xi32, #tpu.memory_space<hbm>>
          %dma_start3A_49 = tpu.memref_slice %arg2[%add3A_44] : memref<655360xi32, #tpu.memory_space<hbm>> -> memref<512xi32, #tpu.memory_space<hbm>>
          tpu.enqueue_dma source(%dma_start3A_49 : memref<512xi32, #tpu.memory_space<hbm>>) target(%arg7 : memref<512xi32, #tpu.memory_space<vmem>>) target_semaphore(%run_scoped3A : memref<!tpu.dma_semaphore, #tpu.memory_space<semaphore_mem>>)
          %dma_wait3A_50 = tpu.memref_slice %arg2[%add3A_44] : memref<655360xi32, #tpu.memory_space<hbm>> -> memref<512xi32, #tpu.memory_space<hbm>>
          %dma_wait3A_51 = tpu.memref_slice %arg2[%add3A_44] : memref<655360xi32, #tpu.memory_space<hbm>> -> memref<512xi32, #tpu.memory_space<hbm>>
          tpu.wait_dma2 semaphore(%run_scoped3A : memref<!tpu.dma_semaphore, #tpu.memory_space<semaphore_mem>>) src(%dma_wait3A_51 : memref<512xi32, #tpu.memory_space<hbm>>) dst(%arg7 : memref<512xi32, #tpu.memory_space<vmem>>)
          tpu.yield
        }) : () -> ()
        "tpu.region"() ({
          %run_scoped3A = tpu.sem_alloc : memref<!tpu.dma_semaphore, #tpu.memory_space<semaphore_mem>>
          %dma_start3A_48 = tpu.memref_slice %arg3[%add3A_44] : memref<655360xi32, #tpu.memory_space<hbm>> -> memref<512xi32, #tpu.memory_space<hbm>>
          %dma_start3A_49 = tpu.memref_slice %arg3[%add3A_44] : memref<655360xi32, #tpu.memory_space<hbm>> -> memref<512xi32, #tpu.memory_space<hbm>>
          tpu.enqueue_dma source(%dma_start3A_49 : memref<512xi32, #tpu.memory_space<hbm>>) target(%arg8 : memref<512xi32, #tpu.memory_space<vmem>>) target_semaphore(%run_scoped3A : memref<!tpu.dma_semaphore, #tpu.memory_space<semaphore_mem>>)
          %dma_wait3A_50 = tpu.memref_slice %arg3[%add3A_44] : memref<655360xi32, #tpu.memory_space<hbm>> -> memref<512xi32, #tpu.memory_space<hbm>>
          %dma_wait3A_51 = tpu.memref_slice %arg3[%add3A_44] : memref<655360xi32, #tpu.memory_space<hbm>> -> memref<512xi32, #tpu.memory_space<hbm>>
          tpu.wait_dma2 semaphore(%run_scoped3A : memref<!tpu.dma_semaphore, #tpu.memory_space<semaphore_mem>>) src(%dma_wait3A_51 : memref<512xi32, #tpu.memory_space<hbm>>) dst(%arg8 : memref<512xi32, #tpu.memory_space<vmem>>)
          tpu.yield
        }) : () -> ()
        %dma_start3A_45 = arith.constant 0 : i32
        %dma_start3A_46 = arith.constant 0 : i32
        %dma_start3A_47 = tpu.memref_slice %arg4[%dma_start3A_45, %dma_start3A_46] : memref<10240x64xf32, #tpu.memory_space<hbm>> -> memref<10240x64xf32, #tpu.memory_space<hbm>>
        tpu.enqueue_indirect_dma source(%dma_start3A_47 : memref<10240x64xf32, #tpu.memory_space<hbm>>) target(%arg11 : memref<512x64xf32, #tpu.memory_space<vmem>>) offsets(%arg7 : memref<512xi32, #tpu.memory_space<vmem>>) semaphore(%arg14 : memref<!tpu.dma_semaphore, #tpu.memory_space<semaphore_mem>>)
      } else {
      }
      %dma_wait3A_35 = arith.constant 0 : i32
      %dma_wait3A_36 = arith.constant 0 : i32
      %dma_wait3A_37 = tpu.memref_slice %arg4[%dma_wait3A_35, %dma_wait3A_36] : memref<10240x64xf32, #tpu.memory_space<hbm>> -> memref<10240x64xf32, #tpu.memory_space<hbm>>
      tpu.wait_indirect_dma semaphore(%arg15 : memref<!tpu.dma_semaphore, #tpu.memory_space<semaphore_mem>>) src(%dma_wait3A_37 : memref<10240x64xf32, #tpu.memory_space<hbm>>) dst(%arg12 : memref<512x64xf32, #tpu.memory_space<vmem>>)
      "tpu.region"() ({
        %run_scoped3A = tpu.sem_alloc : memref<!tpu.dma_semaphore, #tpu.memory_space<semaphore_mem>>
        %dma_start3A_38 = arith.constant 0 : i32
        %dma_start3A_39 = arith.constant 0 : i32
        %dma_start3A_40 = tpu.memref_slice %arg13[%dma_start3A_38, %dma_start3A_39] : memref<10240x64xf32, #tpu.memory_space<vmem_shared>> -> memref<10240x64xf32, #tpu.memory_space<vmem_shared>>
        tpu.enqueue_indirect_dma source(%arg12 : memref<512x64xf32, #tpu.memory_space<vmem>>) target(%dma_start3A_40 : memref<10240x64xf32, #tpu.memory_space<vmem_shared>>) offsets(%arg10 : memref<512xi32, #tpu.memory_space<vmem>>) semaphore(%run_scoped3A : memref<!tpu.dma_semaphore, #tpu.memory_space<semaphore_mem>>) {add = true}
        %dma_wait3A_41 = arith.constant 0 : i32
        %dma_wait3A_42 = arith.constant 0 : i32
        %dma_wait3A_43 = tpu.memref_slice %arg13[%dma_wait3A_41, %dma_wait3A_42] : memref<10240x64xf32, #tpu.memory_space<vmem_shared>> -> memref<10240x64xf32, #tpu.memory_space<vmem_shared>>
        tpu.wait_indirect_dma semaphore(%run_scoped3A : memref<!tpu.dma_semaphore, #tpu.memory_space<semaphore_mem>>) src(%arg12 : memref<512x64xf32, #tpu.memory_space<vmem>>) dst(%dma_wait3A_43 : memref<10240x64xf32, #tpu.memory_space<vmem_shared>>)
        tpu.yield
      }) : () -> ()
    }
    %scan3A_11 = arith.constant 20 : i32
    %barrier3A_12 = arith.constant 0 : index
    tpu.barrier barrier_id(%barrier3A_12)
    %eq3A_13 = arith.constant 0 : i32
    %eq3A_14 = arith.cmpi eq, %arg1, %eq3A_13 : i32
    %convert_element_type3A_15 = arith.extui %eq3A_14 : i1 to i32
    %cond3A_16 = arith.constant 0 : i32
    %cond3A_17 = arith.cmpi ne, %convert_element_type3A_15, %cond3A_16 : i32
    scf.if %cond3A_17 {
      "tpu.region"() ({
        %run_scoped3A = tpu.sem_alloc : memref<!tpu.dma_semaphore, #tpu.memory_space<semaphore_mem>>
        %dma_start3A_18 = arith.constant 0 : i32
        %dma_start3A_19 = arith.constant 0 : i32
        %dma_start3A_20 = tpu.memref_slice %arg6[%arg0, %dma_start3A_18, %dma_start3A_19] : memref<2x10240x64xf32, #tpu.memory_space<hbm>> -> memref<1x10240x64xf32, #tpu.memory_space<hbm>>
        %dma_start3A_21 = tpu.memref_squeeze %dma_start3A_20 : memref<1x10240x64xf32, #tpu.memory_space<hbm>> -> memref<10240x64xf32, #tpu.memory_space<hbm>>
        tpu.enqueue_dma source(%arg13 : memref<10240x64xf32, #tpu.memory_space<vmem_shared>>) target(%dma_start3A_21 : memref<10240x64xf32, #tpu.memory_space<hbm>>) target_semaphore(%run_scoped3A : memref<!tpu.dma_semaphore, #tpu.memory_space<semaphore_mem>>)
        %dma_wait3A = arith.constant 0 : i32
        %dma_wait3A_22 = arith.constant 0 : i32
        %dma_wait3A_23 = tpu.memref_slice %arg6[%arg0, %dma_wait3A, %dma_wait3A_22] : memref<2x10240x64xf32, #tpu.memory_space<hbm>> -> memref<1x10240x64xf32, #tpu.memory_space<hbm>>
        %dma_wait3A_24 = tpu.memref_squeeze %dma_wait3A_23 : memref<1x10240x64xf32, #tpu.memory_space<hbm>> -> memref<10240x64xf32, #tpu.memory_space<hbm>>
        tpu.wait_dma2 semaphore(%run_scoped3A : memref<!tpu.dma_semaphore, #tpu.memory_space<semaphore_mem>>) src(%arg13 : memref<10240x64xf32, #tpu.memory_space<vmem_shared>>) dst(%dma_wait3A_24 : memref<10240x64xf32, #tpu.memory_space<hbm>>)
        tpu.yield
      }) : () -> ()
    } else {
    }
    return
  }
}

module attributes {stable_mosaic.version = 14 : i64} {
  func.func @_prep_body(%arg0: memref<10240x2xf32, #tpu.memory_space<vmem>>, %arg1: memref<10240x7xf32, #tpu.memory_space<vmem>>, %arg2: memref<7x128xf32, #tpu.memory_space<vmem>>, %arg3: memref<1x128xf32, #tpu.memory_space<vmem>>, %arg4: memref<10240x128xf32, #tpu.memory_space<vmem>>, %arg5: memref<10240x1xf32, #tpu.memory_space<vmem>>) attributes {dimension_semantics = [], scalar_prefetch = 0 : i64, scratch_operands = 0 : i64, tpu.core_type = #tpu.core_type<tc>} {
    %get3A = arith.constant 0 : index
    %get3A_0 = arith.constant 0 : index
    %get3A_1 = vector.load %arg0[%get3A, %get3A_0] : memref<10240x2xf32, #tpu.memory_space<vmem>>, vector<10240x1xf32>
    %get3A_2 = arith.constant 0 : index
    %get3A_3 = arith.constant 1 : index
    %get3A_4 = vector.load %arg0[%get3A_2, %get3A_3] : memref<10240x2xf32, #tpu.memory_space<vmem>>, vector<10240x1xf32>
    %add3A = arith.addf %get3A_1, %get3A_4 : vector<10240x1xf32>
    %add3A_5 = arith.constant 1.000000e+00 : f32
    %add3A_6 = vector.broadcast %add3A_5 : f32 to vector<10240x1xf32>
    %add3A_7 = arith.addf %add3A, %add3A_6 : vector<10240x1xf32>
    %max3A = arith.constant 1.000000e+00 : f32
    %max3A_8 = vector.broadcast %max3A : f32 to vector<10240x1xf32>
    %max3A_9 = arith.maximumf %add3A_7, %max3A_8 : vector<10240x1xf32>
    %rsqrt3A = math.rsqrt %max3A_9 : vector<10240x1xf32>
    %iota3A = tpu.iota {dimensions = array<i32: 0>} : vector<10240x1xi32>
    %lt3A = arith.constant 10000 : i32
    %lt3A_10 = vector.broadcast %lt3A : i32 to vector<10240x1xi32>
    %lt3A_11 = arith.cmpi slt, %iota3A, %lt3A_10 : vector<10240x1xi32>
    %jit3A = arith.constant 0.000000e+00 : f32
    %broadcast_in_dim3A = vector.broadcast %jit3A : f32 to vector<10240x1xf32>
    %select_n3A = arith.select %lt3A_11, %rsqrt3A, %broadcast_in_dim3A : vector<10240x1xi1>, vector<10240x1xf32>
    %get3A_12 = arith.constant 0 : index
    %get3A_13 = arith.constant 0 : index
    %get3A_14 = vector.load %arg1[%get3A_12, %get3A_13] : memref<10240x7xf32, #tpu.memory_space<vmem>>, vector<10240x7xf32>
    %get3A_15 = arith.constant 0 : index
    %get3A_16 = arith.constant 0 : index
    %get3A_17 = vector.load %arg2[%get3A_15, %get3A_16] : memref<7x128xf32, #tpu.memory_space<vmem>>, vector<7x128xf32>
    %dot_general3A = arith.constant dense<0.000000e+00> : vector<10240x128xf32>
    %dot_general3A_18 = tpu.matmul %get3A_14, %get3A_17, %dot_general3A {dimension_numbers = #tpu.dot_dimension_numbers<[1], [0], [0], [1], [0, 0, 1, 1], [], []>, transpose_lhs_hint = false} : vector<10240x7xf32>, vector<7x128xf32>, vector<10240x128xf32> -> vector<10240x128xf32>
    %get3A_19 = arith.constant 0 : index
    %get3A_20 = arith.constant 0 : index
    %get3A_21 = vector.load %arg3[%get3A_19, %get3A_20] : memref<1x128xf32, #tpu.memory_space<vmem>>, vector<1x128xf32>
    %add3A_22 = vector.broadcast %get3A_21 : vector<1x128xf32> to vector<10240x128xf32>
    %add3A_23 = arith.addf %dot_general3A_18, %add3A_22 : vector<10240x128xf32>
    %mul3A = vector.broadcast %select_n3A : vector<10240x1xf32> to vector<10240x128xf32>
    %mul3A_24 = arith.mulf %add3A_23, %mul3A : vector<10240x128xf32>
    %swap3A = arith.constant 0 : index
    %swap3A_25 = arith.constant 0 : index
    %swap3A_26 = vector.load %arg4[%swap3A, %swap3A_25] : memref<10240x128xf32, #tpu.memory_space<vmem>>, vector<10240x128xf32>
    tpu.vector_store %arg4[%swap3A, %swap3A_25], %mul3A_24 {strides = array<i32>} : memref<10240x128xf32, #tpu.memory_space<vmem>>, vector<10240x128xf32>,
    %swap3A_27 = arith.constant 0 : index
    %swap3A_28 = arith.constant 0 : index
    %swap3A_29 = vector.load %arg5[%swap3A_27, %swap3A_28] : memref<10240x1xf32, #tpu.memory_space<vmem>>, vector<10240x1xf32>
    tpu.vector_store %arg5[%swap3A_27, %swap3A_28], %select_n3A {strides = array<i32>} : memref<10240x1xf32, #tpu.memory_space<vmem>>, vector<10240x1xf32>,
    return
  }
}

module attributes {stable_mosaic.version = 14 : i64} {
  func.func @_main_body(%arg0: i32, %arg1: memref<1x400x128xf32, #tpu.memory_space<vmem>>, %arg2: memref<1x400x128xf32, #tpu.memory_space<vmem>>, %arg3: memref<400x128xf32, #tpu.memory_space<vmem>>, %arg4: memref<400x1xf32, #tpu.memory_space<vmem>>, %arg5: memref<128x128xf32, #tpu.memory_space<vmem>>, %arg6: memref<1x128xf32, #tpu.memory_space<vmem>>, %arg7: memref<128x1024xf32, #tpu.memory_space<vmem>>, %arg8: memref<1024x128xf32, #tpu.memory_space<vmem>>, %arg9: memref<1x1024xf32, #tpu.memory_space<vmem>>, %arg10: memref<400x128xf32, #tpu.memory_space<vmem>>, %arg11: memref<400x128xf32, #tpu.memory_space<vmem>>, %arg12: memref<400x1024xf32, #tpu.memory_space<vmem>>, %arg13: memref<1x1xf32, #tpu.memory_space<vmem>>, %arg14: memref<400x1xi32, #tpu.memory_space<vmem>>, %arg15: memref<1xf32, #tpu.memory_space<smem>>) attributes {dimension_semantics = [#tpu.dimension_semantics<arbitrary>], iteration_bounds = array<i64: 25>, scalar_prefetch = 0 : i64, scratch_operands = 1 : i64, tpu.core_type = #tpu.core_type<tc>, window_params = [{transform_indices = @transform_0, window_bounds = array<i64: 1, 400, 128>}, {transform_indices = @transform_1, window_bounds = array<i64: 1, 400, 128>}, {transform_indices = @transform_2, window_bounds = array<i64: 400, 128>}, {transform_indices = @transform_3, window_bounds = array<i64: 400, 1>}, {pipeline_mode = #tpu.pipeline_mode<synchronous>, transform_indices = @transform_4, window_bounds = array<i64: 128, 128>}, {pipeline_mode = #tpu.pipeline_mode<synchronous>, transform_indices = @transform_5, window_bounds = array<i64: 1, 128>}, {pipeline_mode = #tpu.pipeline_mode<synchronous>, transform_indices = @transform_6, window_bounds = array<i64: 128, 1024>}, {pipeline_mode = #tpu.pipeline_mode<synchronous>, transform_indices = @transform_7, window_bounds = array<i64: 1024, 128>}, {pipeline_mode = #tpu.pipeline_mode<synchronous>, transform_indices = @transform_8, window_bounds = array<i64: 1, 1024>}, {transform_indices = @transform_9, window_bounds = array<i64: 400, 128>}, {transform_indices = @transform_10, window_bounds = array<i64: 400, 128>}, {transform_indices = @transform_11, window_bounds = array<i64: 400, 1024>}, {pipeline_mode = #tpu.pipeline_mode<synchronous>, transform_indices = @transform_12, window_bounds = array<i64: 1, 1>}, {transform_indices = @transform_13, window_bounds = array<i64: 400, 1>}]} {
    %get3A = arith.constant 0 : index
    %get3A_0 = arith.constant 0 : index
    %get3A_1 = arith.constant 0 : index
    %get3A_2 = vector.load %arg1[%get3A, %get3A_0, %get3A_1] : memref<1x400x128xf32, #tpu.memory_space<vmem>>, vector<1x400x128xf32>
    %get3A_3 = vector.shape_cast %get3A_2 : vector<1x400x128xf32> to vector<400x128xf32>
    %get3A_4 = arith.constant 0 : index
    %get3A_5 = arith.constant 0 : index
    %get3A_6 = arith.constant 0 : index
    %get3A_7 = vector.load %arg2[%get3A_4, %get3A_5, %get3A_6] : memref<1x400x128xf32, #tpu.memory_space<vmem>>, vector<1x400x128xf32>
    %get3A_8 = vector.shape_cast %get3A_7 : vector<1x400x128xf32> to vector<400x128xf32>
    %add3A = arith.addf %get3A_3, %get3A_8 : vector<400x128xf32>
    %get3A_9 = arith.constant 0 : index
    %get3A_10 = arith.constant 0 : index
    %get3A_11 = vector.load %arg3[%get3A_9, %get3A_10] : memref<400x128xf32, #tpu.memory_space<vmem>>, vector<400x128xf32>
    %add3A_12 = arith.addf %add3A, %get3A_11 : vector<400x128xf32>
    %get3A_13 = arith.constant 0 : index
    %get3A_14 = arith.constant 0 : index
    %get3A_15 = vector.load %arg4[%get3A_13, %get3A_14] : memref<400x1xf32, #tpu.memory_space<vmem>>, vector<400x1xf32>
    %mul3A = vector.broadcast %get3A_15 : vector<400x1xf32> to vector<400x128xf32>
    %mul3A_16 = arith.mulf %add3A_12, %mul3A : vector<400x128xf32>
    %get3A_17 = arith.constant 0 : index
    %get3A_18 = arith.constant 0 : index
    %get3A_19 = vector.load %arg5[%get3A_17, %get3A_18] : memref<128x128xf32, #tpu.memory_space<vmem>>, vector<128x128xf32>
    %dot_general3A = arith.constant dense<0.000000e+00> : vector<400x128xf32>
    %dot_general3A_20 = tpu.matmul %mul3A_16, %get3A_19, %dot_general3A {dimension_numbers = #tpu.dot_dimension_numbers<[1], [0], [0], [1], [0, 0, 1, 1], [], []>, transpose_lhs_hint = false} : vector<400x128xf32>, vector<128x128xf32>, vector<400x128xf32> -> vector<400x128xf32>
    %get3A_21 = arith.constant 0 : index
    %get3A_22 = arith.constant 0 : index
    %get3A_23 = vector.load %arg6[%get3A_21, %get3A_22] : memref<1x128xf32, #tpu.memory_space<vmem>>, vector<1x128xf32>
    %add3A_24 = vector.broadcast %get3A_23 : vector<1x128xf32> to vector<400x128xf32>
    %add3A_25 = arith.addf %dot_general3A_20, %add3A_24 : vector<400x128xf32>
    %max3A = arith.constant 0.000000e+00 : f32
    %max3A_26 = vector.broadcast %max3A : f32 to vector<400x128xf32>
    %max3A_27 = arith.maximumf %add3A_25, %max3A_26 : vector<400x128xf32>
    %mul3A_28 = arith.mulf %max3A_27, %max3A_27 : vector<400x128xf32>
    %reduce_sum3A = arith.constant dense<0.000000e+00> : vector<400xf32>
    %reduce_sum3A_29 = vector.multi_reduction <add>, %mul3A_28, %reduce_sum3A [1] : vector<400x128xf32> to vector<400xf32>
    %broadcast_in_dim3A = vector.shape_cast %reduce_sum3A_29 : vector<400xf32> to vector<400x1xf32>
    %get3A_30 = arith.constant 0 : index
    %get3A_31 = arith.constant 0 : index
    %get3A_32 = vector.load %arg7[%get3A_30, %get3A_31] : memref<128x1024xf32, #tpu.memory_space<vmem>>, vector<128x1024xf32>
    %dot_general3A_33 = arith.constant dense<0.000000e+00> : vector<400x1024xf32>
    %dot_general3A_34 = tpu.matmul %max3A_27, %get3A_32, %dot_general3A_33 {dimension_numbers = #tpu.dot_dimension_numbers<[1], [0], [0], [1], [0, 0, 1, 1], [], []>, transpose_lhs_hint = false} : vector<400x128xf32>, vector<128x1024xf32>, vector<400x1024xf32> -> vector<400x1024xf32>
    %mul3A_35 = arith.constant 2.000000e+00 : f32
    %mul3A_36 = vector.broadcast %mul3A_35 : f32 to vector<400x1024xf32>
    %mul3A_37 = arith.mulf %mul3A_36, %dot_general3A_34 : vector<400x1024xf32>
    %sub3A = vector.broadcast %broadcast_in_dim3A : vector<400x1xf32> to vector<400x1024xf32>
    %sub3A_38 = arith.subf %sub3A, %mul3A_37 : vector<400x1024xf32>
    %get3A_39 = arith.constant 0 : index
    %get3A_40 = arith.constant 0 : index
    %get3A_41 = vector.load %arg9[%get3A_39, %get3A_40] : memref<1x1024xf32, #tpu.memory_space<vmem>>, vector<1x1024xf32>
    %add3A_42 = vector.broadcast %get3A_41 : vector<1x1024xf32> to vector<400x1024xf32>
    %add3A_43 = arith.addf %sub3A_38, %add3A_42 : vector<400x1024xf32>
    %iota3A = tpu.iota {dimensions = array<i32: 1>} : vector<400x1024xi32>
    %reduce_min3A = arith.constant dense<0x7F800000> : vector<400xf32>
    %reduce_min3A_44 = vector.multi_reduction <minimumf>, %add3A_43, %reduce_min3A [1] : vector<400x1024xf32> to vector<400xf32>
    %broadcast_in_dim3A_45 = vector.shape_cast %reduce_min3A_44 : vector<400xf32> to vector<400x1xf32>
    %eq3A = vector.broadcast %broadcast_in_dim3A_45 : vector<400x1xf32> to vector<400x1024xf32>
    %eq3A_46 = arith.cmpf oeq, %add3A_43, %eq3A : vector<400x1024xf32>
    %jit3A = arith.constant 1024 : i32
    %broadcast_in_dim3A_47 = vector.broadcast %jit3A : i32 to vector<400x1024xi32>
    %select_n3A = arith.select %eq3A_46, %iota3A, %broadcast_in_dim3A_47 : vector<400x1024xi1>, vector<400x1024xi32>
    %reduce_min3A_48 = arith.constant dense<2147483647> : vector<400xi32>
    %reduce_min3A_49 = vector.multi_reduction <minsi>, %select_n3A, %reduce_min3A_48 [1] : vector<400x1024xi32> to vector<400xi32>
    %broadcast_in_dim3A_50 = vector.shape_cast %reduce_min3A_49 : vector<400xi32> to vector<400x1xi32>
    %eq3A_51 = vector.broadcast %broadcast_in_dim3A_50 : vector<400x1xi32> to vector<400x1024xi32>
    %eq3A_52 = arith.cmpi eq, %iota3A, %eq3A_51 : vector<400x1024xi32>
    %convert_element_type3A = arith.extui %eq3A_52 : vector<400x1024xi1> to vector<400x1024xi32>
    %convert_element_type3A_53 = arith.sitofp %convert_element_type3A : vector<400x1024xi32> to vector<400x1024xf32>
    %get3A_54 = arith.constant 0 : index
    %get3A_55 = arith.constant 0 : index
    %get3A_56 = vector.load %arg8[%get3A_54, %get3A_55] : memref<1024x128xf32, #tpu.memory_space<vmem>>, vector<1024x128xf32>
    %dot_general3A_57 = arith.constant dense<0.000000e+00> : vector<400x128xf32>
    %dot_general3A_58 = tpu.matmul %convert_element_type3A_53, %get3A_56, %dot_general3A_57 {dimension_numbers = #tpu.dot_dimension_numbers<[1], [0], [0], [1], [0, 0, 1, 1], [], []>, precision = #tpu.contract_precision<fp32>, transpose_lhs_hint = false} : vector<400x1024xf32>, vector<1024x128xf32>, vector<400x128xf32> -> vector<400x128xf32>
    %swap3A = arith.constant 0 : index
    %swap3A_59 = arith.constant 0 : index
    %swap3A_60 = vector.load %arg10[%swap3A, %swap3A_59] : memref<400x128xf32, #tpu.memory_space<vmem>>, vector<400x128xf32>
    tpu.vector_store %arg10[%swap3A, %swap3A_59], %max3A_27 {strides = array<i32>} : memref<400x128xf32, #tpu.memory_space<vmem>>, vector<400x128xf32>,
    %swap3A_61 = arith.constant 0 : index
    %swap3A_62 = arith.constant 0 : index
    %swap3A_63 = vector.load %arg11[%swap3A_61, %swap3A_62] : memref<400x128xf32, #tpu.memory_space<vmem>>, vector<400x128xf32>
    tpu.vector_store %arg11[%swap3A_61, %swap3A_62], %dot_general3A_58 {strides = array<i32>} : memref<400x128xf32, #tpu.memory_space<vmem>>, vector<400x128xf32>,
    %swap3A_64 = arith.constant 0 : index
    %swap3A_65 = arith.constant 0 : index
    %swap3A_66 = vector.load %arg12[%swap3A_64, %swap3A_65] : memref<400x1024xf32, #tpu.memory_space<vmem>>, vector<400x1024xf32>
    tpu.vector_store %arg12[%swap3A_64, %swap3A_65], %add3A_43 {strides = array<i32>} : memref<400x1024xf32, #tpu.memory_space<vmem>>, vector<400x1024xf32>,
    %swap3A_67 = arith.constant 0 : index
    %swap3A_68 = arith.constant 0 : index
    %swap3A_69 = vector.load %arg14[%swap3A_67, %swap3A_68] : memref<400x1xi32, #tpu.memory_space<vmem>>, vector<400x1xi32>
    tpu.vector_store %arg14[%swap3A_67, %swap3A_68], %broadcast_in_dim3A_50 {strides = array<i32>} : memref<400x1xi32, #tpu.memory_space<vmem>>, vector<400x1xi32>,
    %sub3A_70 = arith.subf %dot_general3A_58, %max3A_27 : vector<400x128xf32>
    %mul3A_71 = arith.mulf %sub3A_70, %sub3A_70 : vector<400x128xf32>
    %reduce_sum3A_72 = vector.shape_cast %mul3A_71 : vector<400x128xf32> to vector<1x400x128xf32>
    %reduce_sum3A_73 = arith.constant dense<0.000000e+00> : vector<1xf32>
    %reduce_sum3A_74 = vector.multi_reduction <add>, %reduce_sum3A_72, %reduce_sum3A_73 [1, 2] : vector<1x400x128xf32> to vector<1xf32>
    %reduce_sum3A_75 = vector.shape_cast %reduce_sum3A_74 : vector<1xf32> to vector<1x1x1xf32>
    %reduce_sum3A_76 = vector.extract %reduce_sum3A_75[0, 0, 0] : f32 from vector<1x1x1xf32>
    %eq3A_77 = arith.constant 0 : i32
    %eq3A_78 = arith.cmpi eq, %arg0, %eq3A_77 : i32
    %convert_element_type3A_79 = arith.extui %eq3A_78 : i1 to i32
    %cond3A = arith.constant 0 : i32
    %cond3A_80 = arith.cmpi ne, %convert_element_type3A_79, %cond3A : i32
    scf.if %cond3A_80 {
      %swap3A_95 = arith.constant 0.000000e+00 : f32
      %swap3A_96 = arith.constant 0 : index
      %swap3A_97 = memref.load %arg15[%swap3A_96] : memref<1xf32, #tpu.memory_space<smem>>
      memref.store %swap3A_95, %arg15[%swap3A_96] : memref<1xf32, #tpu.memory_space<smem>>
    } else {
    }
    %get3A_81 = arith.constant 0 : index
    %get3A_82 = memref.load %arg15[%get3A_81] : memref<1xf32, #tpu.memory_space<smem>>
    %add3A_83 = arith.addf %get3A_82, %reduce_sum3A_76 : f32
    %swap3A_84 = arith.constant 0 : index
    %swap3A_85 = memref.load %arg15[%swap3A_84] : memref<1xf32, #tpu.memory_space<smem>>
    memref.store %add3A_83, %arg15[%swap3A_84] : memref<1xf32, #tpu.memory_space<smem>>
    %broadcast_in_dim3A_86 = arith.constant 9.76562546E-7 : f32
    %broadcast_in_dim3A_87 = vector.broadcast %broadcast_in_dim3A_86 : f32 to vector<1x1xf32>
    %get3A_88 = arith.constant 0 : index
    %get3A_89 = memref.load %arg15[%get3A_88] : memref<1xf32, #tpu.memory_space<smem>>
    %mul3A_90 = vector.broadcast %get3A_89 : f32 to vector<1x1xf32>
    %mul3A_91 = arith.mulf %broadcast_in_dim3A_87, %mul3A_90 : vector<1x1xf32>
    %swap3A_92 = arith.constant 0 : index
    %swap3A_93 = arith.constant 0 : index
    %swap3A_94 = vector.load %arg13[%swap3A_92, %swap3A_93] : memref<1x1xf32, #tpu.memory_space<vmem>>, vector<1x1xf32>
    tpu.vector_store %arg13[%swap3A_92, %swap3A_93], %mul3A_91 {strides = array<i32>} : memref<1x1xf32, #tpu.memory_space<vmem>>, vector<1x1xf32>,
    return
  }
  func.func @transform_0(%arg0: i32) -> (i32, i32, i32) {
    %c0_i32 = arith.constant 0 : i32
    %c0_i32_0 = arith.constant 0 : i32
    %c0_i32_1 = arith.constant 0 : i32
    return %c0_i32, %arg0, %c0_i32_0 : i32, i32, i32
  }
  func.func @transform_1(%arg0: i32) -> (i32, i32, i32) {
    %c1_i32 = arith.constant 1 : i32
    %c0_i32 = arith.constant 0 : i32
    %c0_i32_0 = arith.constant 0 : i32
    return %c1_i32, %arg0, %c0_i32 : i32, i32, i32
  }
  func.func @transform_2(%arg0: i32) -> (i32, i32) {
    %c0_i32 = arith.constant 0 : i32
    %c0_i32_0 = arith.constant 0 : i32
    return %arg0, %c0_i32 : i32, i32
  }
  func.func @transform_3(%arg0: i32) -> (i32, i32) {
    %c0_i32 = arith.constant 0 : i32
    %c0_i32_0 = arith.constant 0 : i32
    return %arg0, %c0_i32 : i32, i32
  }
  func.func @transform_4(%arg0: i32) -> (i32, i32) {
    %c0_i32 = arith.constant 0 : i32
    %c0_i32_0 = arith.constant 0 : i32
    %c0_i32_1 = arith.constant 0 : i32
    return %c0_i32, %c0_i32_0 : i32, i32
  }
  func.func @transform_5(%arg0: i32) -> (i32, i32) {
    %c0_i32 = arith.constant 0 : i32
    %c0_i32_0 = arith.constant 0 : i32
    %c0_i32_1 = arith.constant 0 : i32
    return %c0_i32, %c0_i32_0 : i32, i32
  }
  func.func @transform_6(%arg0: i32) -> (i32, i32) {
    %c0_i32 = arith.constant 0 : i32
    %c0_i32_0 = arith.constant 0 : i32
    %c0_i32_1 = arith.constant 0 : i32
    return %c0_i32, %c0_i32_0 : i32, i32
  }
  func.func @transform_7(%arg0: i32) -> (i32, i32) {
    %c0_i32 = arith.constant 0 : i32
    %c0_i32_0 = arith.constant 0 : i32
    %c0_i32_1 = arith.constant 0 : i32
    return %c0_i32, %c0_i32_0 : i32, i32
  }
  func.func @transform_8(%arg0: i32) -> (i32, i32) {
    %c0_i32 = arith.constant 0 : i32
    %c0_i32_0 = arith.constant 0 : i32
    %c0_i32_1 = arith.constant 0 : i32
    return %c0_i32, %c0_i32_0 : i32, i32
  }
  func.func @transform_9(%arg0: i32) -> (i32, i32) {
    %c0_i32 = arith.constant 0 : i32
    %c0_i32_0 = arith.constant 0 : i32
    return %arg0, %c0_i32 : i32, i32
  }
  func.func @transform_10(%arg0: i32) -> (i32, i32) {
    %c0_i32 = arith.constant 0 : i32
    %c0_i32_0 = arith.constant 0 : i32
    return %arg0, %c0_i32 : i32, i32
  }
  func.func @transform_11(%arg0: i32) -> (i32, i32) {
    %c0_i32 = arith.constant 0 : i32
    %c0_i32_0 = arith.constant 0 : i32
    return %arg0, %c0_i32 : i32, i32
  }
  func.func @transform_12(%arg0: i32) -> (i32, i32) {
    %c0_i32 = arith.constant 0 : i32
    %c0_i32_0 = arith.constant 0 : i32
    %c0_i32_1 = arith.constant 0 : i32
    return %c0_i32, %c0_i32_0 : i32, i32
  }
  func.func @transform_13(%arg0: i32) -> (i32, i32) {
    %c0_i32 = arith.constant 0 : i32
    %c0_i32_0 = arith.constant 0 : i32
    return %arg0, %c0_i32 : i32, i32
  }
}

</mosaic_0001>

<sc_bundles>
// kernel: kernel.10.cloned.1.call-start
scs
__scs_entry_jumppad:
0x0: {  	(pc) =	sbr.rel $0x88, $3  }
0x1: {  	(tag) =	ssettag $0x0;
	lr =	simm.s32 $0x1  }
0x2: {  	[smem:$0x3F9A] =	sst lr;
	_ =	strace $0xD0000000  }
0x3: {  	_ = 	snop  }
0x4: {  	_ = 	snop  }
0x5: {  	_ = 	snop  }
0x6: {  	_ = 	snop  }
0x7: {  	_ = 	snop  }
__scs_overlays_trampoline_lowered:
0x8: {  	[smem:$0x3FA9] =	sst s0  }
0x9: {  	[smem:$0x3FAA] =	sst s1  }
0xa: {  	[smem:$0x3FAB] =	sst s2  }
0xb: {  	[smem:$0x3FAC] =	sst s3  }
0xc: {  	[smem:$0x3FAD] =	sst s4  }
0xd: {  	[smem:$0x3FAE] =	sst s5  }
0xe: {  	[smem:$0x3FAF] =	sst s6  }
0xf: {  	[smem:$0x3FB0] =	sst s7  }
0x10: {  	[smem:$0x3FB1] =	sst s8  }
0x11: {  	[smem:$0x3FB2] =	sst s9;
	s0 =	simm.s32 @!p0 $0x0  }
0x12: {  	s1 =	sld [smem:$0x3F98];
	s0 =	simm.s32 @p0 $0x1  }
0x13: {  	[smem:$0x3FB3] =	sst s0;
	s0 =	simm.s32 @!p1 $0x0  }
0x14: {  	s2 =	sld [smem:$0x3F97];
	s0 =	simm.s32 @p1 $0x1  }
0x15: {  	[smem:$0x3FB4] =	sst s0;
	s0 =	simm.s32 @!p2 $0x0  }
0x16: {  	s3 =	sld [smem:$0x3FDB];
	s0 =	simm.s32 @p2 $0x1  }
0x17: {  	s4 =	simm.s32 $0x1BF5;
	[smem:$0x3FB6] =	sst s0  }
0x18: {  	s0 =	sld [smem:$0x3F99];
	_ =	swait.ge [sflag:s4], $0x0  }
0x19: {  	s7 =	sld [smem:$0x3F9A]  }
0x1a: {  	s8 =	sadd.s32 $0xFFFFE003, lr  }
0x1b: {  	s9 =	sadd.s32 $0xFFFFFEF7, lr;
	s5 =	simm.s32 $0xFFFFFFFF;
	p2 =	slt.u32 s8, $0xFFFFF086  }
0x1c: {  	p1 =	slt.u32 s9, $0xF7A;
	s5 =	simm.s32 @!p2 $0x0  }
0x1d: {  	s5 =	simm.s32 @p1 $0x1;
	p0 =	seq.s32 s7, s2  }
0x1e: {  	s7 =	smul.u32 @!p0 $0xF7A, s2;
	p2 =	seq.s32 @!p0 s5, $0x0  }
0x1f: {  	s9 =	smul.u32 $0xF7A, s1;
	s8 =	simm.s32 @!p0 $0x1BF5;
	p2 =	por !p2, p0  }
0x20: {  	[sflag:s8] =	ssyncset.s32 @!p0 $0xFFFFF086;
	s6 =	sadd.s32 @!p0 s3, s7;
	s7 =	simm.s32 @!p0 $0x108  }
0x21: {  	s3 =	sadd.s32 s3, s9;
	s6 =	sadd.s32 @!p0 $0x88, s6;
	s7 =	simm.s32 @p2 $0x1082  }
0x22: {  	[simem:s7], [sflag:s8] =	dma.local @!p0 [hbm:s6], $0xF7A  }
0x23: {  	s9 =	sor.u32 $0xD0000000, s2;
	s6 =	simm.s32 $0x108;
	_ =	swait.ge @!p0 [sflag:s8], $0x0  }
0x24: {  	s3 =	sadd.s32 $0x88, s3;
	s6 =	simm.s32 @!p1 $0x1082;
	[sflag:s4] =	ssyncset.s32 $0xFFFFF086  }
0x25: {  	[simem:s6], [sflag:s4] =	dma.local [hbm:s3], $0xF7A  }
0x26: {  	[smem:$0x3F9A] =	sst s1;
	(tag) =	ssettag s2;
	_ =	strace s9  }
0x27: {  	s1 =	sld [smem:$0x3FAA]  }
0x28: {  	s2 =	sld [smem:$0x3FAB]  }
0x29: {  	s4 =	sld [smem:$0x3FAD]  }
0x2a: {  	p0 =	seq.s32 s5, $0x0;
	s5 =	sld [smem:$0x3FAE]  }
0x2b: {  	s6 =	sld [smem:$0x3FAF]  }
0x2c: {  	s7 =	sld [smem:$0x3FB0]  }
0x2d: {  	s3 =	simm.s32 $0x108;
	s8 =	sld [smem:$0x3FB1]  }
0x2e: {  	s3 =	simm.s32 @!p0 $0x1082;
	s9 =	sld [smem:$0x3FB2]  }
0x2f: {  	lr =	sadd.s32 s0, s3;
	s0 =	sld [smem:$0x3FA9]  }
0x30: {  	s3 =	sld [smem:$0x3FAC]  }
0x31: {  	[smem:$0x3FB5] =	sst s10  }
0x32: {  	s10 =	sld [smem:$0x3FB3];
	_ =	sdelay $0x3  }
0x33: {  	p0 =	seq.s32 s10, $0x1;
	s10 =	sld [smem:$0x3FB5];
	_ =	sdelay $0x3  }
0x34: {  	[smem:$0x3FB5] =	sst s10  }
0x35: {  	s10 =	sld [smem:$0x3FB4];
	_ =	sdelay $0x3  }
0x36: {  	p1 =	seq.s32 s10, $0x1;
	s10 =	sld [smem:$0x3FB5];
	_ =	sdelay $0x3  }
0x37: {  	[smem:$0x3FB5] =	sst s10  }
0x38: {  	s10 =	sld [smem:$0x3FB6]  }
0x39: {  	_ = 	snop;
	(pc) =	sbr.ind lr, $3  }
0x3a: {  	_ = 	snop  }
0x3b: {  	_ = 	snop  }
0x3c: {  	p2 =	seq.s32 s10, $0x1;
	s10 =	sld [smem:$0x3FB5]  }
0x3d: {  	_ =	shalt  }
0x3e: {  	_ =	shalt  }
0x3f: {  	_ =	shalt  }
0x40: {  	_ =	shalt  }
0x41: {  	_ =	shalt  }
0x42: {  	_ =	shalt  }
0x43: {  	_ =	shalt  }
0x44: {  	_ =	shalt  }
0x45: {  	_ =	shalt  }
0x46: {  	_ =	shalt  }
0x47: {  	_ =	shalt  }
0x48: {  	_ =	shalt  }
0x49: {  	_ =	shalt  }
0x4a: {  	_ =	shalt  }
0x4b: {  	_ =	shalt  }
0x4c: {  	_ =	shalt  }
0x4d: {  	_ =	shalt  }
0x4e: {  	_ =	shalt  }
0x4f: {  	_ =	shalt  }
0x50: {  	_ =	shalt  }
0x51: {  	_ =	shalt  }
0x52: {  	_ =	shalt  }
0x53: {  	_ =	shalt  }
0x54: {  	_ =	shalt  }
0x55: {  	_ =	shalt  }
0x56: {  	_ =	shalt  }
0x57: {  	_ =	shalt  }
0x58: {  	_ =	shalt  }
0x59: {  	_ =	shalt  }
0x5a: {  	_ =	shalt  }
0x5b: {  	_ =	shalt  }
0x5c: {  	_ =	shalt  }
0x5d: {  	_ =	shalt  }
0x5e: {  	_ =	shalt  }
0x5f: {  	_ =	shalt  }
0x60: {  	_ =	shalt  }
0x61: {  	_ =	shalt  }
0x62: {  	_ =	shalt  }
0x63: {  	_ =	shalt  }
0x64: {  	_ =	shalt  }
0x65: {  	_ =	shalt  }
0x66: {  	_ =	shalt  }
0x67: {  	_ =	shalt  }
0x68: {  	_ =	shalt  }
0x69: {  	_ =	shalt  }
0x6a: {  	_ =	shalt  }
0x6b: {  	_ =	shalt  }
0x6c: {  	_ =	shalt  }
0x6d: {  	_ =	shalt  }
0x6e: {  	_ =	shalt  }
0x6f: {  	_ =	shalt  }
0x70: {  	_ =	shalt  }
0x71: {  	_ =	shalt  }
0x72: {  	_ =	shalt  }
0x73: {  	_ =	shalt  }
0x74: {  	_ =	shalt  }
0x75: {  	_ =	shalt  }
0x76: {  	_ =	shalt  }
0x77: {  	_ =	shalt  }
0x78: {  	_ =	shalt  }
0x79: {  	_ =	shalt  }
0x7a: {  	_ =	shalt  }
0x7b: {  	_ =	shalt  }
0x7c: {  	_ =	shalt  }
0x7d: {  	_ =	shalt  }
0x7e: {  	_ =	shalt  }
0x7f: {  	_ =	shalt  }
0x80: {  	_ =	shalt  }
0x81: {  	_ =	shalt  }
0x82: {  	_ =	shalt  }
0x83: {  	_ =	shalt  }
0x84: {  	_ =	shalt  }
0x85: {  	_ =	shalt  }
0x86: {  	_ =	shalt  }
0x87: {  	_ =	shalt  }
.Lfunc_end0:
.L_simem_size_0:
called_computation.1_lowered:
.L_overlay_start_0:
0x88: {  	s2 =	sld [smem:$0x3FD9]  }
0x89: {  	s3 =	sld [smem:$0x3FFE];
	_ =	sdelay $0x1  }
0x8a: {  	s1 =	srdreg.scid  }
0x8b: {  	s0 =	sand.u32 $0x1, s1  }
0x8c: {  	s15 =	sshll.u32 s0, $0xA;
	s2 =	sadd.s32 s3, s2  }
0x8d: {  	s2 =	sadd.s32 s2, s15  }
0x8e: {  	[smem:$0x3FC1] =	sst s2  }
0x8f: {  	_ = 	snop  }
0x90: {  	s2 =	sld [smem:$0x3FD0];
	_ =	sdelay $0x2  }
0x91: {  	s4 =	simm.s32 $0xB;
	s16 =	simm.s32 $0x10  }
0x92: {  	[smem:s16], [sflag:s4] =	dma.local [hbm:s2], $0x1  }
0x93: {  	_ =	swait.eq [sflag:s4], $0x1  }
0x94: {  	s17 =	sld [smem:$0x10];
	[sflag:s4] =	ssyncset.done $0x0  }
0x95: {  	s5 =	sld [smem:$0x11];
	[sflag:s4] =	ssyncadd.s32 $0xFFFFFFFF  }
0x96: {  	s18 =	sld [smem:$0x12];
	(tm) =	ssettm $0x1  }
0x97: {  	s19 =	sld [smem:$0x3FFB];
	_ =	sdelay $0x3  }
0x98: {  	_ =	strace s19  }
0x99: {  	s2 =	sld [smem:$0x3FFC];
	_ =	sdelay $0x3  }
0x9a: {  	_ =	strace s2  }
0x9b: {  	s2 =	sld [smem:$0x3FFD];
	_ =	sdelay $0x3  }
0x9c: {  	_ =	strace s2  }
0x9d: {  	_ =	strace $0x8FFFFFFF  }
0x9e: {  	s20 =	sld [smem:$0x3FDB];
	_ =	sdelay $0x1  }
0x9f: {  	s6 =	simm.s32 $_scs_section_size  }
0xa0: {  	s7 =	simm.s32 $_size__tile_overlayer_lowered;
	s8 =	simm.s32 $_tile_overlayer_lowered  }
0xa1: {  	s9 =	simm.s32 $0x1BFF;
	s21 =	sshll.u32 s8, $0x1;
	s6 =	sadd.s32 s6, s20  }
0xa2: {  	s22 =	simm.s32 $0x0;
	s7 =	sshll.u32 s7, $0x1;
	s8 =	sadd.s32 s21, s6  }
0xa3: {  	[timem:s22], [sflag:s9] =	dma.local [hbm:s8], s7  }
0xa4: {  	_ =	swait.ge [sflag:s9], s7  }
0xa5: {  	s7 =	ssub.s32 $0x0, s7;
	[sflag:s9] =	ssyncset.done $0x0  }
0xa6: {  	[sflag:s9] =	ssyncadd.s32 s7;
	_ =	sdelay $0x1  }
0xa7: {  	s23 =	simm.s32 $0x1B8B  }
0xa8: {  	_ =	swait.ge [sflag:s23], $0x1  }
0xa9: {  	[sflag:s23] =	ssyncset.done $0x0  }
0xaa: {  	[sflag:s23] =	ssyncadd.s32 $0xFFFFFFFF  }
0xab: {  	s7 =	sld [smem:$0x0]  }
0xac: {  	s8 =	sand.u32 $0xFFFFFFFE, s1  }
0xad: {  	p0 =	sne.s32 s1, s8  }
0xae: {  	s8 =	sshll.u32 @p0 s8, $0xE  }
0xaf: {  	s8 =	sadd.s32 @p0 $0x11B8D, s8;
	s9 =	sshll.u32 @p0 s7, $0x11  }
0xb0: {  	s8 =	sor.u32 @p0 s9, s8  }
0xb1: {  	[sflag:s8] =	ssyncadd.remote.s32 @p0 $0x1;
	_ =	sdelay $0x1  }
0xb2: {  	s8 =	simm.s32 @p0 $0x1B8D  }
0xb3: {  	_ =	swait.eq @p0 [sflag:s8], $0x1  }
0xb4: {  	[sflag:s8] =	ssyncadd.s32 @p0 $0xFFFFFFFF  }
0xb5: {  	s9 =	sshll.u32 @!p0 s1, $0xE  }
0xb6: {  	s9 =	sor.u32 @!p0 $0x4000, s9;
	s8 =	simm.s32 @!p0 $0x1B8D  }
0xb7: {  	s7 =	sshll.u32 @!p0 s7, $0x11;
	s9 =	sadd.s32 @!p0 $0x11B8D, s9;
	_ =	swait.eq @!p0 [sflag:s8], $0x1  }
0xb8: {  	s7 =	sor.u32 @!p0 s7, s9;
	[sflag:s8] =	ssyncadd.s32 @!p0 $0xFFFFFFFF  }
0xb9: {  	s25 =	simm.s32 $0x1B8E;
	s24 =	sld [smem:$0x3FFE];
	[sflag:s7] =	ssyncadd.remote.s32 @!p0 $0x1  }
0xba: {  	s26 =	simm.s32 $execute0_lowered;
	[smem:$0x3FD2] =	sst s25  }
0xbb: {  	s8 =	sshll.u32 s26, $0x1;
	_ =	strace $0x8000004C;
	[dreg:$0x1] =	wrdreg $0xFFFFFFFF  }
0xbc: {  	s28 =	simm.s32 $_size_execute0_lowered;
	s6 =	sadd.s32 s6, s8;
	[dreg:$0x0] =	wrdreg $0x0  }
0xbd: {  	s8 =	sshll.u32 s28, $0x1;
	[dreg:$0x2] =	wrdreg s6  }
0xbe: {  	[dreg:$0x3] =	wrdreg s8  }
0xbf: {  	[dreg:$0x4] =	wrdreg $0xC0  }
0xc0: {  	_ =	task [dreg:s22], $0x5FFFF  }
0xc1: {  	[dreg:$0x1] =	wrdreg $0xFFFFFFFF  }
0xc2: {  	[dreg:$0x0] =	wrdreg $0x60  }
0xc3: {  	[dreg:$0x2] =	wrdreg s17  }
0xc4: {  	[dreg:$0x3] =	wrdreg s5  }
0xc5: {  	[dreg:$0x4] =	wrdreg s24  }
0xc6: {  	[dreg:$0x5] =	wrdreg s18  }
0xc7: {  	[dreg:$0x6] =	wrdreg $0x108000  }
0xc8: {  	[dreg:$0x7] =	wrdreg $0x9  }
0xc9: {  	_ =	task.clear_ibuf [dreg:s22], $0x8FFFF;
	_ =	strace $0x9000004C  }
0xca: {  	s29 =	simm.s32 $0x9;
	_ =	strace $0x8000004E  }
0xcb: {  	_ =	swait.ge [sflag:s29], $0x1  }
0xcc: {  	[sflag:s29] =	ssyncadd.s32 $0xFFFFFFFF  }
0xcd: {  	_ =	strace $0x9000004E  }
0xce: {  	_ =	sfence  }
0xcf: {  	s30 =	sld [smem:$0x0];
	_ =	sdelay $0x2  }
0xd0: {  	s31 =	sshll.u32 s1, $0xD;
	s1 =	sshrl.u32 s1, $0x2  }
0xd1: {  	s4 =	sand.u32 $0x4000, s31;
	s1 =	sadd.s32 s1, s30  }
0xd2: {  	s0 =	sor.u32 s4, s0;
	s1 =	sshll.u32 s1, $0x11  }
0xd3: {  	s0 =	sor.u32 s1, s0  }
0xd4: {  	s0 =	sadd.s32 $0x8F2B, s0  }
0xd5: {  	[sflag:s0] =	ssyncadd.remote.s32 $0x1  }
0xd6: {  	_ =	sfence.sel $0xFFFF  }
0xd7: {  	[dreg:$0x0] =	wrdreg $0xFFFFFFFF;
	(pc) =	sbr.abs _section_cstart, $3  }
0xd8: {  	[dreg:$0x1] =	wrdreg $0xFFFFFFFF  }
0xd9: {  	_ =	task.clear_ibuf [dreg:s22], $0x2FFFF;
	_ =	strace $0x9FFFFFFF  }
0xda: {  	(tm) =	ssettm $0x7FFFFFFF  }
0xdb: {  	_ =	shalt  }
tec
execute0_lowered:
.L_overlay_start_1:
0x0: {  	(tag) =	ssettag $0x1  }
0x1: {  	s14 =	rddreg [dreg:$0x0]  }
0x2: {  	s13 =	rddreg [dreg:$0x1]  }
0x3: {  	s4 =	rddreg [dreg:$0x2]  }
0x4: {  	s7 =	rddreg [dreg:$0x3]  }
0x5: {  	s1 =	rddreg [dreg:$0x4];
	s2 =	srdreg.scid  }
0x6: {  	s0 =	rddreg [dreg:$0x5];
	s15 =	stileid.u32;
	s17 =	simm.s32 $0x200  }
0x7: {  	s18 =	simm.s32 $0x800;
	s19 =	simm.s32 $0x400;
	s20 =	simm.s32 $0x600  }
0x8: {  	s21 =	simm.s32 $0x8800;
	s22 =	simm.s32 $0x1;
	s23 =	simm.s32 $0x2  }
0x9: {  	s24 =	simm.s32 $0x0;
	s5 =	sand.u32 $0x1, s2;
	s2 =	simm.s32 $0x0  }
0xa: {  	s11 =	smul.u32 $0x5000, s15;
	p0 =	sne.s32 s15, $0x0;
	s3 =	sshll.u32 s5, $0x4  }
0xb: {  	[smem:$0x7FF] =	sst s2;
	s8 =	ssub.s32 $0x2, s5;
	s9 =	smul.u32 $0x50000, s5  }
0xc: {  	s12 =	smul.u32 $0x14000, s5;
	s3 =	sor.u32 s15, s3;
	_ =	strace $0x8000004D  }
0xd: {  	s10 =	sshrl.u32 s8, $0x1;
	s15 =	sshrl.u32 @!p0 s1, $0x3;
	s6 =	smul.u32 $0x5000, s3  }
0xe: {  	s3 =	sadd.s32 $0x50E00, s4;
	s4 =	sadd.s32 $0x14E00, s4;
	s16 =	sadd.s32 s11, s9  }
0xf: {  	s8 =	ssub.s32 s8, s10;
	s7 =	sadd.s32 s7, s12;
	s11 =	sor.u32 $0x400, s16  }
0x10: {  	s8 =	smax.u32 s8, $0x1;
	s16 =	sor.u32 $0x200, s16;
	s30 =	sshrl.u32 s6, $0x3  }
0x11: {  	s31 =	sshrl.u32 s11, $0x3;
	s16 =	sshrl.u32 s16, $0x3;
	s5 =	sadd.s32 s14, s30  }
0x12: {  	s6 =	sadd.s32 s13, s30;
	s10 =	sadd.s32 $0x9C0, s30;
	s11 =	sadd.s32 s31, s13  }
0x13: {  	s12 =	sadd.s32 s31, s14;
	s9 =	sadd.s32 s14, s10;
	s10 =	sadd.s32 s13, s10  }
0x14: {  	s13 =	sadd.s32 s16, s13;
	s14 =	sadd.s32 s16, s14;
	s16 =	simm.s32 $0x3  }
.LBB2_1:
0x15: {  	s25 =	simm.s32 @!p0 $0x1C03  }
0x16: {  	[spmem:s15], [sflag:s25] =	dma.local @!p0 [hbm:s4], $0x14000  }
0x17: {  	s25 =	simm.s32 @!p0 $0x3  }
0x18: {  	_ =	swait.ge @!p0 [sflag:s25], $0x14000  }
0x19: {  	[sflag:s25] =	ssyncset.done @!p0 $0x0  }
0x1a: {  	[sflag:s25] =	ssyncadd.s32 @!p0 $0xFFFEC000  }
0x1b: {  	[bflag:$0x0] =	sbarrier.arrive $0xFFFF  }
0x1c: {  	[tilespmem:s2], [sflag:$0x3] =	stream.linear.gather [hbm4b:s5+s2], $0x200, $0x38;
	[tilespmem:$0x1A800] =	vst v63  }
0x1d: {  	_ =	swait.ge [sflag:s16], $0x200  }
0x1e: {  	[sflag:s16] =	ssyncset.done $0x0  }
0x1f: {  	[sflag:s16] =	ssyncadd.s32 $0xFFFFFE00  }
0x20: {  	[tilespmem:s17], [sflag:$0x3] =	stream.linear.gather [hbm4b:s6+s2], $0x200, $0x38;
	[tilespmem:$0x1A800] =	vst v63  }
0x21: {  	_ =	swait.ge [sflag:s16], $0x200  }
0x22: {  	[sflag:s16] =	ssyncset.done $0x0  }
0x23: {  	[sflag:s16] =	ssyncadd.s32 $0xFFFFFE00  }
0x24: {  	[tilespmem:s18], [sflag:$0x1] =	stream.indirect.gather [hbm4b:s3+s17], $0x40, s2, s17, $0xb8;
	[tilespmem:$0x1A800] =	vst v63  }
0x25: {  	s26 =	sadd.s32 $0x0, s14  }
0x26: {  	[tilespmem:s19], [sflag:$0x3] =	stream.linear.gather [hbm4b:s26+s2], $0x200, $0x38;
	[tilespmem:$0x1A800] =	vst v63  }
0x27: {  	_ =	swait.ge [sflag:s16], $0x200  }
0x28: {  	[sflag:s16] =	ssyncset.done $0x0  }
0x29: {  	s29 =	sadd.s32 $0x0, s13;
	[sflag:s16] =	ssyncadd.s32 $0xFFFFFE00  }
0x2a: {  	[tilespmem:s20], [sflag:$0x3] =	stream.linear.gather [hbm4b:s29+s2], $0x200, $0x38;
	[tilespmem:$0x1A800] =	vst v63  }
0x2b: {  	_ =	swait.ge [sflag:s16], $0x200  }
0x2c: {  	[sflag:s16] =	ssyncset.done $0x0  }
0x2d: {  	[sflag:s16] =	ssyncadd.s32 $0xFFFFFE00  }
0x2e: {  	[tilespmem:s21], [sflag:$0x2] =	stream.indirect.gather [hbm4b:s3+s17], $0x40, s19, s17, $0xb8;
	[tilespmem:$0x1A800] =	vst v63  }
0x2f: {  	_ =	swait.ge [sflag:s22], $0x8000  }
0x30: {  	[sflag:s22] =	ssyncset.done $0x0  }
0x31: {  	[sflag:s22] =	ssyncadd.s32 $0xFFFF8000  }
0x32: {  	[spmem:s1] =	stream.indirect.scatter.add.f32 [tilespmem:s18], [sflag:$0x3], $0x40, s17, s17, $0xb8;
	[tilespmem:$0x1A800] =	vst v63  }
0x33: {  	_ =	swait.ge [sflag:s16], $0x8000  }
0x34: {  	[sflag:s16] =	ssyncset.done $0x0  }
0x35: {  	s30 =	sadd.s32 $0x0, s12;
	[sflag:s16] =	ssyncadd.s32 $0xFFFF8000  }
0x36: {  	[tilespmem:s2], [sflag:$0x3] =	stream.linear.gather [hbm4b:s30+s2], $0x200, $0x38;
	[tilespmem:$0x1A800] =	vst v63  }
0x37: {  	_ =	swait.ge [sflag:s16], $0x200  }
0x38: {  	[sflag:s16] =	ssyncset.done $0x0  }
0x39: {  	s31 =	sadd.s32 $0x0, s11;
	[sflag:s16] =	ssyncadd.s32 $0xFFFFFE00  }
0x3a: {  	[tilespmem:s17], [sflag:$0x3] =	stream.linear.gather [hbm4b:s31+s2], $0x200, $0x38;
	[tilespmem:$0x1A800] =	vst v63  }
0x3b: {  	_ =	swait.ge [sflag:s16], $0x200  }
0x3c: {  	[sflag:s16] =	ssyncset.done $0x0  }
0x3d: {  	[sflag:s16] =	ssyncadd.s32 $0xFFFFFE00  }
0x3e: {  	[tilespmem:s18], [sflag:$0x1] =	stream.indirect.gather [hbm4b:s3+s17], $0x40, s2, s17, $0xb8;
	[tilespmem:$0x1A800] =	vst v63  }
0x3f: {  	_ =	swait.ge [sflag:s23], $0x8000  }
0x40: {  	[sflag:s23] =	ssyncset.done $0x0  }
0x41: {  	[sflag:s23] =	ssyncadd.s32 $0xFFFF8000  }
0x42: {  	[spmem:s1] =	stream.indirect.scatter.add.f32 [tilespmem:s21], [sflag:$0x3], $0x40, s20, s17, $0xb8;
	[tilespmem:$0x1A800] =	vst v63  }
0x43: {  	_ =	swait.ge [sflag:s16], $0x8000  }
0x44: {  	s28 =	simm.s32 $0x100;
	s25 =	simm.s32 $0x80;
	[sflag:s16] =	ssyncset.done $0x0  }
.LBB2_2:
0x45: {  	s29 =	sadd.s32 s25, s14  }
0x46: {  	[sflag:s16] =	ssyncadd.s32 $0xFFFF8000;
	s30 =	smov.u32 s28;
	s26 =	sadd.s32 $0x80, s28  }
0x47: {  	[tilespmem:s19], [sflag:$0x3] =	stream.linear.gather [hbm4b:s29+s2], $0x200, $0x38;
	[tilespmem:$0x1A800] =	vst v63  }
0x48: {  	p1 =	sne.s32 s28, $0x900;
	_ =	swait.ge [sflag:s16], $0x200  }
0x49: {  	[sflag:s16] =	ssyncset.done $0x0  }
0x4a: {  	s28 =	sadd.s32 s25, s13;
	[sflag:s16] =	ssyncadd.s32 $0xFFFFFE00  }
0x4b: {  	[tilespmem:s20], [sflag:$0x3] =	stream.linear.gather [hbm4b:s28+s2], $0x200, $0x38;
	[tilespmem:$0x1A800] =	vst v63  }
0x4c: {  	_ =	swait.ge [sflag:s16], $0x200  }
0x4d: {  	[sflag:s16] =	ssyncset.done $0x0  }
0x4e: {  	[sflag:s16] =	ssyncadd.s32 $0xFFFFFE00  }
0x4f: {  	[tilespmem:s21], [sflag:$0x2] =	stream.indirect.gather [hbm4b:s3+s17], $0x40, s19, s17, $0xb8;
	[tilespmem:$0x1A800] =	vst v63  }
0x50: {  	_ =	swait.ge [sflag:s22], $0x8000  }
0x51: {  	[sflag:s22] =	ssyncset.done $0x0  }
0x52: {  	[sflag:s22] =	ssyncadd.s32 $0xFFFF8000  }
0x53: {  	[spmem:s1] =	stream.indirect.scatter.add.f32 [tilespmem:s18], [sflag:$0x3], $0x40, s17, s17, $0xb8;
	[tilespmem:$0x1A800] =	vst v63  }
0x54: {  	_ =	swait.ge [sflag:s16], $0x8000  }
0x55: {  	[sflag:s16] =	ssyncset.done $0x0  }
0x56: {  	s28 =	sadd.s32 s25, s12;
	[sflag:s16] =	ssyncadd.s32 $0xFFFF8000  }
0x57: {  	[tilespmem:s2], [sflag:$0x3] =	stream.linear.gather [hbm4b:s28+s2], $0x200, $0x38;
	[tilespmem:$0x1A800] =	vst v63  }
0x58: {  	_ =	swait.ge [sflag:s16], $0x200  }
0x59: {  	[sflag:s16] =	ssyncset.done $0x0  }
0x5a: {  	s28 =	sadd.s32 s25, s11;
	s25 =	smov.u32 s30;
	[sflag:s16] =	ssyncadd.s32 $0xFFFFFE00  }
0x5b: {  	[tilespmem:s17], [sflag:$0x3] =	stream.linear.gather [hbm4b:s28+s2], $0x200, $0x38;
	[tilespmem:$0x1A800] =	vst v63  }
0x5c: {  	_ =	swait.ge [sflag:s16], $0x200  }
0x5d: {  	[sflag:s16] =	ssyncset.done $0x0  }
0x5e: {  	[sflag:s16] =	ssyncadd.s32 $0xFFFFFE00  }
0x5f: {  	[tilespmem:s18], [sflag:$0x1] =	stream.indirect.gather [hbm4b:s3+s17], $0x40, s2, s17, $0xb8;
	[tilespmem:$0x1A800] =	vst v63  }
0x60: {  	_ =	swait.ge [sflag:s23], $0x8000  }
.Ltmp0:
0x61: {  	[sflag:s23] =	ssyncset.done $0x0;
	(pc) =	sbr.rel @p1 .LBB2_2-.Ltmp0, $4  }
0x62: {  	[sflag:s23] =	ssyncadd.s32 $0xFFFF8000  }
0x63: {  	[spmem:s1] =	stream.indirect.scatter.add.f32 [tilespmem:s21], [sflag:$0x3], $0x40, s20, s17, $0xb8;
	[tilespmem:$0x1A800] =	vst v63  }
0x64: {  	_ =	swait.ge [sflag:s16], $0x8000  }
0x65: {  	s28 =	smov.u32 s26;
	[sflag:s16] =	ssyncset.done $0x0  }
0x66: {  	s26 =	sadd.s32 s25, s14;
	[sflag:s16] =	ssyncadd.s32 $0xFFFF8000  }
0x67: {  	[tilespmem:s19], [sflag:$0x3] =	stream.linear.gather [hbm4b:s26+s2], $0x200, $0x38;
	[tilespmem:$0x1A800] =	vst v63  }
0x68: {  	_ =	swait.ge [sflag:s16], $0x200  }
0x69: {  	[sflag:s16] =	ssyncset.done $0x0  }
0x6a: {  	s29 =	sadd.s32 s25, s13;
	[sflag:s16] =	ssyncadd.s32 $0xFFFFFE00  }
0x6b: {  	[tilespmem:s20], [sflag:$0x3] =	stream.linear.gather [hbm4b:s29+s2], $0x200, $0x38;
	[tilespmem:$0x1A800] =	vst v63  }
0x6c: {  	_ =	swait.ge [sflag:s16], $0x200  }
0x6d: {  	[sflag:s16] =	ssyncset.done $0x0  }
0x6e: {  	[sflag:s16] =	ssyncadd.s32 $0xFFFFFE00  }
0x6f: {  	[tilespmem:s21], [sflag:$0x2] =	stream.indirect.gather [hbm4b:s3+s17], $0x40, s19, s17, $0xb8;
	[tilespmem:$0x1A800] =	vst v63  }
0x70: {  	_ =	swait.ge [sflag:s22], $0x8000  }
0x71: {  	[sflag:s22] =	ssyncset.done $0x0  }
0x72: {  	[sflag:s22] =	ssyncadd.s32 $0xFFFF8000  }
0x73: {  	[spmem:s1] =	stream.indirect.scatter.add.f32 [tilespmem:s18], [sflag:$0x3], $0x40, s17, s17, $0xb8;
	[tilespmem:$0x1A800] =	vst v63  }
0x74: {  	_ =	swait.ge [sflag:s16], $0x8000  }
0x75: {  	[sflag:s16] =	ssyncset.done $0x0  }
0x76: {  	s30 =	sadd.s32 s25, s12;
	[sflag:s16] =	ssyncadd.s32 $0xFFFF8000  }
0x77: {  	[tilespmem:s2], [sflag:$0x3] =	stream.linear.gather [hbm4b:s30+s2], $0x200, $0x38;
	[tilespmem:$0x1A800] =	vst v63  }
0x78: {  	_ =	swait.ge [sflag:s16], $0x200  }
0x79: {  	[sflag:s16] =	ssyncset.done $0x0  }
0x7a: {  	s31 =	sadd.s32 s25, s11;
	[sflag:s16] =	ssyncadd.s32 $0xFFFFFE00  }
0x7b: {  	[tilespmem:s17], [sflag:$0x3] =	stream.linear.gather [hbm4b:s31+s2], $0x200, $0x38;
	[tilespmem:$0x1A800] =	vst v63  }
0x7c: {  	_ =	swait.ge [sflag:s16], $0x200  }
0x7d: {  	[sflag:s16] =	ssyncset.done $0x0  }
0x7e: {  	[sflag:s16] =	ssyncadd.s32 $0xFFFFFE00  }
0x7f: {  	[tilespmem:s18], [sflag:$0x1] =	stream.indirect.gather [hbm4b:s3+s17], $0x40, s2, s17, $0xb8;
	[tilespmem:$0x1A800] =	vst v63  }
0x80: {  	_ =	swait.ge [sflag:s23], $0x8000  }
0x81: {  	[sflag:s23] =	ssyncset.done $0x0  }
0x82: {  	[sflag:s23] =	ssyncadd.s32 $0xFFFF8000  }
0x83: {  	[spmem:s1] =	stream.indirect.scatter.add.f32 [tilespmem:s21], [sflag:$0x3], $0x40, s20, s17, $0xb8;
	[tilespmem:$0x1A800] =	vst v63  }
0x84: {  	_ =	swait.ge [sflag:s16], $0x8000  }
0x85: {  	[sflag:s16] =	ssyncset.done $0x0  }
0x86: {  	[sflag:s16] =	ssyncadd.s32 $0xFFFF8000  }
0x87: {  	[tilespmem:s19], [sflag:$0x3] =	stream.linear.gather [hbm4b:s9+s2], $0x200, $0x38;
	[tilespmem:$0x1A800] =	vst v63  }
0x88: {  	_ =	swait.ge [sflag:s16], $0x200  }
0x89: {  	[sflag:s16] =	ssyncset.done $0x0  }
0x8a: {  	[sflag:s16] =	ssyncadd.s32 $0xFFFFFE00  }
0x8b: {  	[tilespmem:s20], [sflag:$0x3] =	stream.linear.gather [hbm4b:s10+s2], $0x200, $0x38;
	[tilespmem:$0x1A800] =	vst v63  }
0x8c: {  	_ =	swait.ge [sflag:s16], $0x200  }
0x8d: {  	[sflag:s16] =	ssyncset.done $0x0  }
0x8e: {  	[sflag:s16] =	ssyncadd.s32 $0xFFFFFE00  }
0x8f: {  	[tilespmem:s21], [sflag:$0x2] =	stream.indirect.gather [hbm4b:s3+s17], $0x40, s19, s17, $0xb8;
	[tilespmem:$0x1A800] =	vst v63  }
0x90: {  	_ =	swait.ge [sflag:s22], $0x8000  }
0x91: {  	[sflag:s22] =	ssyncset.done $0x0  }
0x92: {  	[sflag:s22] =	ssyncadd.s32 $0xFFFF8000  }
0x93: {  	[spmem:s1] =	stream.indirect.scatter.add.f32 [tilespmem:s18], [sflag:$0x3], $0x40, s17, s17, $0xb8;
	[tilespmem:$0x1A800] =	vst v63  }
0x94: {  	_ =	swait.ge [sflag:s16], $0x8000  }
0x95: {  	[sflag:s16] =	ssyncset.done $0x0  }
0x96: {  	[sflag:s16] =	ssyncadd.s32 $0xFFFF8000  }
0x97: {  	_ =	swait.ge [sflag:s23], $0x8000  }
0x98: {  	[sflag:s23] =	ssyncset.done $0x0  }
0x99: {  	[sflag:s23] =	ssyncadd.s32 $0xFFFF8000  }
0x9a: {  	[spmem:s1] =	stream.indirect.scatter.add.f32 [tilespmem:s21], [sflag:$0x3], $0x40, s20, s17, $0xb8;
	[tilespmem:$0x1A800] =	vst v63  }
0x9b: {  	_ =	swait.ge [sflag:s16], $0x8000  }
0x9c: {  	[sflag:s16] =	ssyncset.done $0x0  }
0x9d: {  	s24 =	sadd.s32 $0x1, s24;
	[sflag:s16] =	ssyncadd.s32 $0xFFFF8000  }
0x9e: {  	s25 =	simm.s32 @!p0 $0x1C03;
	p1 =	sne.s32 s24, s8;
	[bflag:$0x0] =	sbarrier.arrive $0xFFFF  }
0x9f: {  	[hbm:s7], [sflag:s25] =	dma.local @!p0 [spmem:s15], $0x14000  }
.Ltmp1:
0xa0: {  	_ = 	snop;
	(pc) =	sbr.rel @p1 .LBB2_1-.Ltmp1, $4  }
0xa1: {  	s25 =	simm.s32 @!p0 $0x3  }
0xa2: {  	_ =	swait.ge @!p0 [sflag:s25], $0x14000  }
0xa3: {  	[sflag:s25] =	ssyncset.done @!p0 $0x0  }
0xa4: {  	[sflag:s25] =	ssyncadd.s32 @!p0 $0xFFFEC000  }
0xa5: {  	_ =	sfence.sel $0x180000  }
0xa6: {  	[bflag:$0x0] =	sbarrier.arrive $0xFFFF  }
0xa7: {  	_ =	strace $0x9000004D  }
0xa8: {  	s0 =	sadd.s32 @!p0 $0x100000, s0;
	[bflag:$0x2] =	sbarrier.arrive $0xFFFF  }
0xa9: {  	[sflag:s0] =	ssyncadd.tile.s32 @!p0 $0x1;
	_ =	shalt  }
.Lfunc_end2:
_tile_overlayer_lowered:
.L_overlay_start_2:
0xaa: {  	(tag) =	ssettag $0x2  }
0xab: {  	s0 =	rddreg [dreg:$0x0];
	s2 =	stileid.u32  }
0xac: {  	s1 =	rddreg [dreg:$0x1];
	p0 =	sne.s32 s2, $0x0  }
0xad: {  	s3 =	rddreg [dreg:$0x2];
	[bflag:$0x3] =	sbarrier.arrive $0xFFFF;
	s2 =	simm.s32 @!p0 $0x1C03  }
0xae: {  	[timem:s3], [sflag:s2] =	dma.local @!p0 [hbm:s0], s1  }
0xaf: {  	s0 =	simm.s32 @!p0 $0x3  }
0xb0: {  	_ =	swait.ge @!p0 [sflag:s0], s1  }
0xb1: {  	s1 =	ssub.s32 @!p0 $0x0, s1;
	[sflag:s0] =	ssyncset.done @!p0 $0x0  }
0xb2: {  	[sflag:s0] =	ssyncadd.s32 @!p0 s1  }
0xb3: {  	[bflag:$0x3] =	sbarrier.arrive $0xFFFF  }
0xb4: {  	_ =	shalt  }

// kernel: kernel.13.cloned.1.call-start
scs
__scs_entry_jumppad:
0x0: {  	(pc) =	sbr.rel $0x88, $3  }
0x1: {  	(tag) =	ssettag $0x0;
	lr =	simm.s32 $0x1  }
0x2: {  	[smem:$0x3F9A] =	sst lr;
	_ =	strace $0xD0000000  }
0x3: {  	_ = 	snop  }
0x4: {  	_ = 	snop  }
0x5: {  	_ = 	snop  }
0x6: {  	_ = 	snop  }
0x7: {  	_ = 	snop  }
__scs_overlays_trampoline_lowered:
0x8: {  	[smem:$0x3FA9] =	sst s0  }
0x9: {  	[smem:$0x3FAA] =	sst s1  }
0xa: {  	[smem:$0x3FAB] =	sst s2  }
0xb: {  	[smem:$0x3FAC] =	sst s3  }
0xc: {  	[smem:$0x3FAD] =	sst s4  }
0xd: {  	[smem:$0x3FAE] =	sst s5  }
0xe: {  	[smem:$0x3FAF] =	sst s6  }
0xf: {  	[smem:$0x3FB0] =	sst s7  }
0x10: {  	[smem:$0x3FB1] =	sst s8  }
0x11: {  	[smem:$0x3FB2] =	sst s9;
	s0 =	simm.s32 @!p0 $0x0  }
0x12: {  	s1 =	sld [smem:$0x3F98];
	s0 =	simm.s32 @p0 $0x1  }
0x13: {  	[smem:$0x3FB3] =	sst s0;
	s0 =	simm.s32 @!p1 $0x0  }
0x14: {  	s2 =	sld [smem:$0x3F97];
	s0 =	simm.s32 @p1 $0x1  }
0x15: {  	[smem:$0x3FB4] =	sst s0;
	s0 =	simm.s32 @!p2 $0x0  }
0x16: {  	s3 =	sld [smem:$0x3FDB];
	s0 =	simm.s32 @p2 $0x1  }
0x17: {  	s4 =	simm.s32 $0x1BF5;
	[smem:$0x3FB6] =	sst s0  }
0x18: {  	s0 =	sld [smem:$0x3F99];
	_ =	swait.ge [sflag:s4], $0x0  }
0x19: {  	s7 =	sld [smem:$0x3F9A]  }
0x1a: {  	s8 =	sadd.s32 $0xFFFFE003, lr  }
0x1b: {  	s9 =	sadd.s32 $0xFFFFFEF7, lr;
	s5 =	simm.s32 $0xFFFFFFFF;
	p2 =	slt.u32 s8, $0xFFFFF086  }
0x1c: {  	p1 =	slt.u32 s9, $0xF7A;
	s5 =	simm.s32 @!p2 $0x0  }
0x1d: {  	s5 =	simm.s32 @p1 $0x1;
	p0 =	seq.s32 s7, s2  }
0x1e: {  	s7 =	smul.u32 @!p0 $0xF7A, s2;
	p2 =	seq.s32 @!p0 s5, $0x0  }
0x1f: {  	s9 =	smul.u32 $0xF7A, s1;
	s8 =	simm.s32 @!p0 $0x1BF5;
	p2 =	por !p2, p0  }
0x20: {  	[sflag:s8] =	ssyncset.s32 @!p0 $0xFFFFF086;
	s6 =	sadd.s32 @!p0 s3, s7;
	s7 =	simm.s32 @!p0 $0x108  }
0x21: {  	s3 =	sadd.s32 s3, s9;
	s6 =	sadd.s32 @!p0 $0x88, s6;
	s7 =	simm.s32 @p2 $0x1082  }
0x22: {  	[simem:s7], [sflag:s8] =	dma.local @!p0 [hbm:s6], $0xF7A  }
0x23: {  	s9 =	sor.u32 $0xD0000000, s2;
	s6 =	simm.s32 $0x108;
	_ =	swait.ge @!p0 [sflag:s8], $0x0  }
0x24: {  	s3 =	sadd.s32 $0x88, s3;
	s6 =	simm.s32 @!p1 $0x1082;
	[sflag:s4] =	ssyncset.s32 $0xFFFFF086  }
0x25: {  	[simem:s6], [sflag:s4] =	dma.local [hbm:s3], $0xF7A  }
0x26: {  	[smem:$0x3F9A] =	sst s1;
	(tag) =	ssettag s2;
	_ =	strace s9  }
0x27: {  	s1 =	sld [smem:$0x3FAA]  }
0x28: {  	s2 =	sld [smem:$0x3FAB]  }
0x29: {  	s4 =	sld [smem:$0x3FAD]  }
0x2a: {  	p0 =	seq.s32 s5, $0x0;
	s5 =	sld [smem:$0x3FAE]  }
0x2b: {  	s6 =	sld [smem:$0x3FAF]  }
0x2c: {  	s7 =	sld [smem:$0x3FB0]  }
0x2d: {  	s3 =	simm.s32 $0x108;
	s8 =	sld [smem:$0x3FB1]  }
0x2e: {  	s3 =	simm.s32 @!p0 $0x1082;
	s9 =	sld [smem:$0x3FB2]  }
0x2f: {  	lr =	sadd.s32 s0, s3;
	s0 =	sld [smem:$0x3FA9]  }
0x30: {  	s3 =	sld [smem:$0x3FAC]  }
0x31: {  	[smem:$0x3FB5] =	sst s10  }
0x32: {  	s10 =	sld [smem:$0x3FB3];
	_ =	sdelay $0x3  }
0x33: {  	p0 =	seq.s32 s10, $0x1;
	s10 =	sld [smem:$0x3FB5];
	_ =	sdelay $0x3  }
0x34: {  	[smem:$0x3FB5] =	sst s10  }
0x35: {  	s10 =	sld [smem:$0x3FB4];
	_ =	sdelay $0x3  }
0x36: {  	p1 =	seq.s32 s10, $0x1;
	s10 =	sld [smem:$0x3FB5];
	_ =	sdelay $0x3  }
0x37: {  	[smem:$0x3FB5] =	sst s10  }
0x38: {  	s10 =	sld [smem:$0x3FB6]  }
0x39: {  	_ = 	snop;
	(pc) =	sbr.ind lr, $3  }
0x3a: {  	_ = 	snop  }
0x3b: {  	_ = 	snop  }
0x3c: {  	p2 =	seq.s32 s10, $0x1;
	s10 =	sld [smem:$0x3FB5]  }
0x3d: {  	_ =	shalt  }
0x3e: {  	_ =	shalt  }
0x3f: {  	_ =	shalt  }
0x40: {  	_ =	shalt  }
0x41: {  	_ =	shalt  }
0x42: {  	_ =	shalt  }
0x43: {  	_ =	shalt  }
0x44: {  	_ =	shalt  }
0x45: {  	_ =	shalt  }
0x46: {  	_ =	shalt  }
0x47: {  	_ =	shalt  }
0x48: {  	_ =	shalt  }
0x49: {  	_ =	shalt  }
0x4a: {  	_ =	shalt  }
0x4b: {  	_ =	shalt  }
0x4c: {  	_ =	shalt  }
0x4d: {  	_ =	shalt  }
0x4e: {  	_ =	shalt  }
0x4f: {  	_ =	shalt  }
0x50: {  	_ =	shalt  }
0x51: {  	_ =	shalt  }
0x52: {  	_ =	shalt  }
0x53: {  	_ =	shalt  }
0x54: {  	_ =	shalt  }
0x55: {  	_ =	shalt  }
0x56: {  	_ =	shalt  }
0x57: {  	_ =	shalt  }
0x58: {  	_ =	shalt  }
0x59: {  	_ =	shalt  }
0x5a: {  	_ =	shalt  }
0x5b: {  	_ =	shalt  }
0x5c: {  	_ =	shalt  }
0x5d: {  	_ =	shalt  }
0x5e: {  	_ =	shalt  }
0x5f: {  	_ =	shalt  }
0x60: {  	_ =	shalt  }
0x61: {  	_ =	shalt  }
0x62: {  	_ =	shalt  }
0x63: {  	_ =	shalt  }
0x64: {  	_ =	shalt  }
0x65: {  	_ =	shalt  }
0x66: {  	_ =	shalt  }
0x67: {  	_ =	shalt  }
0x68: {  	_ =	shalt  }
0x69: {  	_ =	shalt  }
0x6a: {  	_ =	shalt  }
0x6b: {  	_ =	shalt  }
0x6c: {  	_ =	shalt  }
0x6d: {  	_ =	shalt  }
0x6e: {  	_ =	shalt  }
0x6f: {  	_ =	shalt  }
0x70: {  	_ =	shalt  }
0x71: {  	_ =	shalt  }
0x72: {  	_ =	shalt  }
0x73: {  	_ =	shalt  }
0x74: {  	_ =	shalt  }
0x75: {  	_ =	shalt  }
0x76: {  	_ =	shalt  }
0x77: {  	_ =	shalt  }
0x78: {  	_ =	shalt  }
0x79: {  	_ =	shalt  }
0x7a: {  	_ =	shalt  }
0x7b: {  	_ =	shalt  }
0x7c: {  	_ =	shalt  }
0x7d: {  	_ =	shalt  }
0x7e: {  	_ =	shalt  }
0x7f: {  	_ =	shalt  }
0x80: {  	_ =	shalt  }
0x81: {  	_ =	shalt  }
0x82: {  	_ =	shalt  }
0x83: {  	_ =	shalt  }
0x84: {  	_ =	shalt  }
0x85: {  	_ =	shalt  }
0x86: {  	_ =	shalt  }
0x87: {  	_ =	shalt  }
.Lfunc_end0:
.L_simem_size_0:
called_computation.2_lowered:
.L_overlay_start_0:
0x88: {  	s2 =	sld [smem:$0x3FD9]  }
0x89: {  	s3 =	sld [smem:$0x3FFE];
	_ =	sdelay $0x1  }
0x8a: {  	s1 =	srdreg.scid  }
0x8b: {  	s0 =	sand.u32 $0x1, s1  }
0x8c: {  	s14 =	sshll.u32 s0, $0xA;
	s2 =	sadd.s32 s3, s2  }
0x8d: {  	s2 =	sadd.s32 s2, s14  }
0x8e: {  	[smem:$0x3FC1] =	sst s2  }
0x8f: {  	_ = 	snop  }
0x90: {  	s2 =	sld [smem:$0x3FD0];
	_ =	sdelay $0x2  }
0x91: {  	s15 =	simm.s32 $0xB;
	s4 =	simm.s32 $0x10  }
0x92: {  	[smem:s4], [sflag:s15] =	dma.local [hbm:s2], $0x1  }
0x93: {  	_ =	swait.eq [sflag:s15], $0x1  }
0x94: {  	[sflag:s15] =	ssyncset.done $0x0  }
0x95: {  	s16 =	sld [smem:$0x10];
	[sflag:s15] =	ssyncadd.s32 $0xFFFFFFFF  }
0x96: {  	s17 =	sld [smem:$0x11];
	(tm) =	ssettm $0x1  }
0x97: {  	s18 =	sld [smem:$0x3FFB];
	_ =	sdelay $0x3  }
0x98: {  	_ =	strace s18  }
0x99: {  	s4 =	sld [smem:$0x3FFC];
	_ =	sdelay $0x3  }
0x9a: {  	_ =	strace s4  }
0x9b: {  	s4 =	sld [smem:$0x3FFD];
	_ =	sdelay $0x3  }
0x9c: {  	_ =	strace s4  }
0x9d: {  	_ =	strace $0x8FFFFFFF  }
0x9e: {  	s19 =	sld [smem:$0x3FDB];
	_ =	sdelay $0x1  }
0x9f: {  	s5 =	simm.s32 $_scs_section_size  }
0xa0: {  	s6 =	simm.s32 $_size__tile_overlayer_lowered;
	s7 =	simm.s32 $_tile_overlayer_lowered  }
0xa1: {  	s22 =	simm.s32 $0x1BFF;
	s21 =	sshll.u32 s7, $0x1;
	s4 =	sadd.s32 s5, s19  }
0xa2: {  	s8 =	simm.s32 $0x0;
	s20 =	sshll.u32 s6, $0x1;
	s6 =	sadd.s32 s21, s4  }
0xa3: {  	[timem:s8], [sflag:s22] =	dma.local [hbm:s6], s20  }
0xa4: {  	_ =	swait.ge [sflag:s22], s20  }
0xa5: {  	s5 =	ssub.s32 $0x0, s20;
	[sflag:s22] =	ssyncset.done $0x0  }
0xa6: {  	[sflag:s22] =	ssyncadd.s32 s5;
	_ =	sdelay $0x1  }
0xa7: {  	s23 =	simm.s32 $0x1B8B  }
0xa8: {  	_ =	swait.ge [sflag:s23], $0x1  }
0xa9: {  	[sflag:s23] =	ssyncset.done $0x0  }
0xaa: {  	s25 =	simm.s32 $0x1B8E;
	s24 =	sld [smem:$0x3FFE];
	[sflag:s23] =	ssyncadd.s32 $0xFFFFFFFF  }
0xab: {  	s26 =	simm.s32 $execute0_lowered;
	[smem:$0x3FD2] =	sst s25  }
0xac: {  	s6 =	sshll.u32 s26, $0x1;
	_ =	strace $0x80000049;
	[dreg:$0x1] =	wrdreg $0xFFFFFFFF  }
0xad: {  	s28 =	simm.s32 $_size_execute0_lowered;
	s4 =	sadd.s32 s4, s6;
	[dreg:$0x0] =	wrdreg $0x0  }
0xae: {  	s6 =	sshll.u32 s28, $0x1;
	[dreg:$0x2] =	wrdreg s4  }
0xaf: {  	[dreg:$0x3] =	wrdreg s6  }
0xb0: {  	[dreg:$0x4] =	wrdreg $0xC0  }
0xb1: {  	_ =	task [dreg:s8], $0x5FFFF  }
0xb2: {  	[dreg:$0x1] =	wrdreg $0xFFFFFFFF  }
0xb3: {  	[dreg:$0x0] =	wrdreg $0x60  }
0xb4: {  	[dreg:$0x2] =	wrdreg s16  }
0xb5: {  	[dreg:$0x3] =	wrdreg s17  }
0xb6: {  	[dreg:$0x4] =	wrdreg s24  }
0xb7: {  	[dreg:$0x5] =	wrdreg $0x108000  }
0xb8: {  	[dreg:$0x6] =	wrdreg $0xA  }
0xb9: {  	_ =	task.clear_ibuf [dreg:s8], $0x7FFFF;
	_ =	strace $0x90000049  }
0xba: {  	s29 =	simm.s32 $0xA;
	_ =	strace $0x8000004B  }
0xbb: {  	_ =	swait.ge [sflag:s29], $0x1  }
0xbc: {  	[sflag:s29] =	ssyncadd.s32 $0xFFFFFFFF  }
0xbd: {  	_ =	strace $0x9000004B  }
0xbe: {  	_ =	sfence  }
0xbf: {  	s30 =	sld [smem:$0x0];
	_ =	sdelay $0x2  }
0xc0: {  	s31 =	sshll.u32 s1, $0xD;
	s1 =	sshrl.u32 s1, $0x2  }
0xc1: {  	s3 =	sand.u32 $0x4000, s31;
	s1 =	sadd.s32 s1, s30  }
0xc2: {  	s0 =	sor.u32 s3, s0;
	s1 =	sshll.u32 s1, $0x11  }
0xc3: {  	s0 =	sor.u32 s1, s0  }
0xc4: {  	s0 =	sadd.s32 $0x8F2B, s0  }
0xc5: {  	[sflag:s0] =	ssyncadd.remote.s32 $0x1  }
0xc6: {  	_ =	sfence.sel $0xFFFF  }
0xc7: {  	[dreg:$0x0] =	wrdreg $0xFFFFFFFF;
	(pc) =	sbr.abs _section_cstart, $3  }
0xc8: {  	[dreg:$0x1] =	wrdreg $0xFFFFFFFF  }
0xc9: {  	_ =	task.clear_ibuf [dreg:s8], $0x2FFFF;
	_ =	strace $0x9FFFFFFF  }
0xca: {  	(tm) =	ssettm $0x7FFFFFFF  }
0xcb: {  	_ =	shalt  }
tec
execute0_lowered:
.L_overlay_start_1:
0x0: {  	(tag) =	ssettag $0x1  }
0x1: {  	s14 =	rddreg [dreg:$0x0]  }
0x2: {  	s13 =	rddreg [dreg:$0x1]  }
0x3: {  	s5 =	rddreg [dreg:$0x2]  }
0x4: {  	s1 =	rddreg [dreg:$0x3]  }
0x5: {  	s2 =	srdreg.scid;
	s0 =	rddreg [dreg:$0x4]  }
0x6: {  	s15 =	stileid.u32;
	s17 =	simm.s32 $0x200;
	s18 =	simm.s32 $0x800  }
0x7: {  	s19 =	simm.s32 $0x400;
	s20 =	simm.s32 $0x600;
	s21 =	simm.s32 $0x8800  }
0x8: {  	s22 =	simm.s32 $0x1;
	s23 =	simm.s32 $0x2;
	s24 =	simm.s32 $0x0  }
0x9: {  	s4 =	sand.u32 $0x1, s2;
	s2 =	simm.s32 $0x0;
	s11 =	smul.u32 $0x5000, s15  }
0xa: {  	p0 =	sne.s32 s15, $0x0;
	s3 =	sshll.u32 s4, $0x4;
	s6 =	smul.u32 $0x14000, s4  }
0xb: {  	[smem:$0x7FF] =	sst s2;
	s8 =	ssub.s32 $0x2, s4;
	s9 =	smul.u32 $0x50000, s4  }
0xc: {  	s4 =	sadd.s32 $0x14E00, s5;
	s3 =	sor.u32 s15, s3;
	_ =	strace $0x8000004A  }
0xd: {  	s10 =	sshrl.u32 s8, $0x1;
	s15 =	sshrl.u32 @!p0 s1, $0x3;
	s7 =	smul.u32 $0x5000, s3  }
0xe: {  	s3 =	sadd.s32 $0xE00, s5;
	s8 =	ssub.s32 s8, s10;
	s16 =	sadd.s32 s11, s9  }
0xf: {  	s12 =	sadd.s32 s6, s5;
	s11 =	sor.u32 $0x400, s16;
	s8 =	smax.u32 s8, $0x1  }
0x10: {  	s16 =	sor.u32 $0x200, s16;
	s30 =	sshrl.u32 s7, $0x3;
	s7 =	sadd.s32 $0x28E00, s12  }
0x11: {  	s31 =	sshrl.u32 s11, $0x3;
	s16 =	sshrl.u32 s16, $0x3;
	s5 =	sadd.s32 s14, s30  }
0x12: {  	s6 =	sadd.s32 s13, s30;
	s10 =	sadd.s32 $0x9C0, s30;
	s11 =	sadd.s32 s31, s13  }
0x13: {  	s12 =	sadd.s32 s31, s14;
	s9 =	sadd.s32 s14, s10;
	s10 =	sadd.s32 s13, s10  }
0x14: {  	s13 =	sadd.s32 s16, s13;
	s14 =	sadd.s32 s16, s14;
	s16 =	simm.s32 $0x3  }
.LBB2_1:
0x15: {  	s25 =	simm.s32 @!p0 $0x1C03  }
0x16: {  	[spmem:s15], [sflag:s25] =	dma.local @!p0 [hbm:s4], $0x14000  }
0x17: {  	s25 =	simm.s32 @!p0 $0x3  }
0x18: {  	_ =	swait.ge @!p0 [sflag:s25], $0x14000  }
0x19: {  	[sflag:s25] =	ssyncset.done @!p0 $0x0  }
0x1a: {  	[sflag:s25] =	ssyncadd.s32 @!p0 $0xFFFEC000  }
0x1b: {  	[bflag:$0x0] =	sbarrier.arrive $0xFFFF  }
0x1c: {  	[tilespmem:s2], [sflag:$0x3] =	stream.linear.gather [hbm4b:s5+s2], $0x200, $0x38;
	[tilespmem:$0x1A800] =	vst v63  }
0x1d: {  	_ =	swait.ge [sflag:s16], $0x200  }
0x1e: {  	[sflag:s16] =	ssyncset.done $0x0  }
0x1f: {  	[sflag:s16] =	ssyncadd.s32 $0xFFFFFE00  }
0x20: {  	[tilespmem:s17], [sflag:$0x3] =	stream.linear.gather [hbm4b:s6+s2], $0x200, $0x38;
	[tilespmem:$0x1A800] =	vst v63  }
0x21: {  	_ =	swait.ge [sflag:s16], $0x200  }
0x22: {  	[sflag:s16] =	ssyncset.done $0x0  }
0x23: {  	[sflag:s16] =	ssyncadd.s32 $0xFFFFFE00  }
0x24: {  	[tilespmem:s18], [sflag:$0x1] =	stream.indirect.gather [hbm4b:s3+s17], $0x40, s2, s17, $0xb8;
	[tilespmem:$0x1A800] =	vst v63  }
0x25: {  	s26 =	sadd.s32 $0x0, s14  }
0x26: {  	[tilespmem:s19], [sflag:$0x3] =	stream.linear.gather [hbm4b:s26+s2], $0x200, $0x38;
	[tilespmem:$0x1A800] =	vst v63  }
0x27: {  	_ =	swait.ge [sflag:s16], $0x200  }
0x28: {  	[sflag:s16] =	ssyncset.done $0x0  }
0x29: {  	s29 =	sadd.s32 $0x0, s13;
	[sflag:s16] =	ssyncadd.s32 $0xFFFFFE00  }
0x2a: {  	[tilespmem:s20], [sflag:$0x3] =	stream.linear.gather [hbm4b:s29+s2], $0x200, $0x38;
	[tilespmem:$0x1A800] =	vst v63  }
0x2b: {  	_ =	swait.ge [sflag:s16], $0x200  }
0x2c: {  	[sflag:s16] =	ssyncset.done $0x0  }
0x2d: {  	[sflag:s16] =	ssyncadd.s32 $0xFFFFFE00  }
0x2e: {  	[tilespmem:s21], [sflag:$0x2] =	stream.indirect.gather [hbm4b:s3+s17], $0x40, s19, s17, $0xb8;
	[tilespmem:$0x1A800] =	vst v63  }
0x2f: {  	_ =	swait.ge [sflag:s22], $0x8000  }
0x30: {  	[sflag:s22] =	ssyncset.done $0x0  }
0x31: {  	[sflag:s22] =	ssyncadd.s32 $0xFFFF8000  }
0x32: {  	[spmem:s1] =	stream.indirect.scatter.add.f32 [tilespmem:s18], [sflag:$0x3], $0x40, s17, s17, $0xb8;
	[tilespmem:$0x1A800] =	vst v63  }
0x33: {  	_ =	swait.ge [sflag:s16], $0x8000  }
0x34: {  	[sflag:s16] =	ssyncset.done $0x0  }
0x35: {  	s30 =	sadd.s32 $0x0, s12;
	[sflag:s16] =	ssyncadd.s32 $0xFFFF8000  }
0x36: {  	[tilespmem:s2], [sflag:$0x3] =	stream.linear.gather [hbm4b:s30+s2], $0x200, $0x38;
	[tilespmem:$0x1A800] =	vst v63  }
0x37: {  	_ =	swait.ge [sflag:s16], $0x200  }
0x38: {  	[sflag:s16] =	ssyncset.done $0x0  }
0x39: {  	s31 =	sadd.s32 $0x0, s11;
	[sflag:s16] =	ssyncadd.s32 $0xFFFFFE00  }
0x3a: {  	[tilespmem:s17], [sflag:$0x3] =	stream.linear.gather [hbm4b:s31+s2], $0x200, $0x38;
	[tilespmem:$0x1A800] =	vst v63  }
0x3b: {  	_ =	swait.ge [sflag:s16], $0x200  }
0x3c: {  	[sflag:s16] =	ssyncset.done $0x0  }
0x3d: {  	[sflag:s16] =	ssyncadd.s32 $0xFFFFFE00  }
0x3e: {  	[tilespmem:s18], [sflag:$0x1] =	stream.indirect.gather [hbm4b:s3+s17], $0x40, s2, s17, $0xb8;
	[tilespmem:$0x1A800] =	vst v63  }
0x3f: {  	_ =	swait.ge [sflag:s23], $0x8000  }
0x40: {  	[sflag:s23] =	ssyncset.done $0x0  }
0x41: {  	[sflag:s23] =	ssyncadd.s32 $0xFFFF8000  }
0x42: {  	[spmem:s1] =	stream.indirect.scatter.add.f32 [tilespmem:s21], [sflag:$0x3], $0x40, s20, s17, $0xb8;
	[tilespmem:$0x1A800] =	vst v63  }
0x43: {  	_ =	swait.ge [sflag:s16], $0x8000  }
0x44: {  	s28 =	simm.s32 $0x100;
	s25 =	simm.s32 $0x80;
	[sflag:s16] =	ssyncset.done $0x0  }
.LBB2_2:
0x45: {  	s29 =	sadd.s32 s25, s14  }
0x46: {  	[sflag:s16] =	ssyncadd.s32 $0xFFFF8000;
	s30 =	smov.u32 s28;
	s26 =	sadd.s32 $0x80, s28  }
0x47: {  	[tilespmem:s19], [sflag:$0x3] =	stream.linear.gather [hbm4b:s29+s2], $0x200, $0x38;
	[tilespmem:$0x1A800] =	vst v63  }
0x48: {  	p1 =	sne.s32 s28, $0x900;
	_ =	swait.ge [sflag:s16], $0x200  }
0x49: {  	[sflag:s16] =	ssyncset.done $0x0  }
0x4a: {  	s28 =	sadd.s32 s25, s13;
	[sflag:s16] =	ssyncadd.s32 $0xFFFFFE00  }
0x4b: {  	[tilespmem:s20], [sflag:$0x3] =	stream.linear.gather [hbm4b:s28+s2], $0x200, $0x38;
	[tilespmem:$0x1A800] =	vst v63  }
0x4c: {  	_ =	swait.ge [sflag:s16], $0x200  }
0x4d: {  	[sflag:s16] =	ssyncset.done $0x0  }
0x4e: {  	[sflag:s16] =	ssyncadd.s32 $0xFFFFFE00  }
0x4f: {  	[tilespmem:s21], [sflag:$0x2] =	stream.indirect.gather [hbm4b:s3+s17], $0x40, s19, s17, $0xb8;
	[tilespmem:$0x1A800] =	vst v63  }
0x50: {  	_ =	swait.ge [sflag:s22], $0x8000  }
0x51: {  	[sflag:s22] =	ssyncset.done $0x0  }
0x52: {  	[sflag:s22] =	ssyncadd.s32 $0xFFFF8000  }
0x53: {  	[spmem:s1] =	stream.indirect.scatter.add.f32 [tilespmem:s18], [sflag:$0x3], $0x40, s17, s17, $0xb8;
	[tilespmem:$0x1A800] =	vst v63  }
0x54: {  	_ =	swait.ge [sflag:s16], $0x8000  }
0x55: {  	[sflag:s16] =	ssyncset.done $0x0  }
0x56: {  	s28 =	sadd.s32 s25, s12;
	[sflag:s16] =	ssyncadd.s32 $0xFFFF8000  }
0x57: {  	[tilespmem:s2], [sflag:$0x3] =	stream.linear.gather [hbm4b:s28+s2], $0x200, $0x38;
	[tilespmem:$0x1A800] =	vst v63  }
0x58: {  	_ =	swait.ge [sflag:s16], $0x200  }
0x59: {  	[sflag:s16] =	ssyncset.done $0x0  }
0x5a: {  	s28 =	sadd.s32 s25, s11;
	s25 =	smov.u32 s30;
	[sflag:s16] =	ssyncadd.s32 $0xFFFFFE00  }
0x5b: {  	[tilespmem:s17], [sflag:$0x3] =	stream.linear.gather [hbm4b:s28+s2], $0x200, $0x38;
	[tilespmem:$0x1A800] =	vst v63  }
0x5c: {  	_ =	swait.ge [sflag:s16], $0x200  }
0x5d: {  	[sflag:s16] =	ssyncset.done $0x0  }
0x5e: {  	[sflag:s16] =	ssyncadd.s32 $0xFFFFFE00  }
0x5f: {  	[tilespmem:s18], [sflag:$0x1] =	stream.indirect.gather [hbm4b:s3+s17], $0x40, s2, s17, $0xb8;
	[tilespmem:$0x1A800] =	vst v63  }
0x60: {  	_ =	swait.ge [sflag:s23], $0x8000  }
.Ltmp0:
0x61: {  	[sflag:s23] =	ssyncset.done $0x0;
	(pc) =	sbr.rel @p1 .LBB2_2-.Ltmp0, $4  }
0x62: {  	[sflag:s23] =	ssyncadd.s32 $0xFFFF8000  }
0x63: {  	[spmem:s1] =	stream.indirect.scatter.add.f32 [tilespmem:s21], [sflag:$0x3], $0x40, s20, s17, $0xb8;
	[tilespmem:$0x1A800] =	vst v63  }
0x64: {  	_ =	swait.ge [sflag:s16], $0x8000  }
0x65: {  	s28 =	smov.u32 s26;
	[sflag:s16] =	ssyncset.done $0x0  }
0x66: {  	s26 =	sadd.s32 s25, s14;
	[sflag:s16] =	ssyncadd.s32 $0xFFFF8000  }
0x67: {  	[tilespmem:s19], [sflag:$0x3] =	stream.linear.gather [hbm4b:s26+s2], $0x200, $0x38;
	[tilespmem:$0x1A800] =	vst v63  }
0x68: {  	_ =	swait.ge [sflag:s16], $0x200  }
0x69: {  	[sflag:s16] =	ssyncset.done $0x0  }
0x6a: {  	s29 =	sadd.s32 s25, s13;
	[sflag:s16] =	ssyncadd.s32 $0xFFFFFE00  }
0x6b: {  	[tilespmem:s20], [sflag:$0x3] =	stream.linear.gather [hbm4b:s29+s2], $0x200, $0x38;
	[tilespmem:$0x1A800] =	vst v63  }
0x6c: {  	_ =	swait.ge [sflag:s16], $0x200  }
0x6d: {  	[sflag:s16] =	ssyncset.done $0x0  }
0x6e: {  	[sflag:s16] =	ssyncadd.s32 $0xFFFFFE00  }
0x6f: {  	[tilespmem:s21], [sflag:$0x2] =	stream.indirect.gather [hbm4b:s3+s17], $0x40, s19, s17, $0xb8;
	[tilespmem:$0x1A800] =	vst v63  }
0x70: {  	_ =	swait.ge [sflag:s22], $0x8000  }
0x71: {  	[sflag:s22] =	ssyncset.done $0x0  }
0x72: {  	[sflag:s22] =	ssyncadd.s32 $0xFFFF8000  }
0x73: {  	[spmem:s1] =	stream.indirect.scatter.add.f32 [tilespmem:s18], [sflag:$0x3], $0x40, s17, s17, $0xb8;
	[tilespmem:$0x1A800] =	vst v63  }
0x74: {  	_ =	swait.ge [sflag:s16], $0x8000  }
0x75: {  	[sflag:s16] =	ssyncset.done $0x0  }
0x76: {  	s30 =	sadd.s32 s25, s12;
	[sflag:s16] =	ssyncadd.s32 $0xFFFF8000  }
0x77: {  	[tilespmem:s2], [sflag:$0x3] =	stream.linear.gather [hbm4b:s30+s2], $0x200, $0x38;
	[tilespmem:$0x1A800] =	vst v63  }
0x78: {  	_ =	swait.ge [sflag:s16], $0x200  }
0x79: {  	[sflag:s16] =	ssyncset.done $0x0  }
0x7a: {  	s31 =	sadd.s32 s25, s11;
	[sflag:s16] =	ssyncadd.s32 $0xFFFFFE00  }
0x7b: {  	[tilespmem:s17], [sflag:$0x3] =	stream.linear.gather [hbm4b:s31+s2], $0x200, $0x38;
	[tilespmem:$0x1A800] =	vst v63  }
0x7c: {  	_ =	swait.ge [sflag:s16], $0x200  }
0x7d: {  	[sflag:s16] =	ssyncset.done $0x0  }
0x7e: {  	[sflag:s16] =	ssyncadd.s32 $0xFFFFFE00  }
0x7f: {  	[tilespmem:s18], [sflag:$0x1] =	stream.indirect.gather [hbm4b:s3+s17], $0x40, s2, s17, $0xb8;
	[tilespmem:$0x1A800] =	vst v63  }
0x80: {  	_ =	swait.ge [sflag:s23], $0x8000  }
0x81: {  	[sflag:s23] =	ssyncset.done $0x0  }
0x82: {  	[sflag:s23] =	ssyncadd.s32 $0xFFFF8000  }
0x83: {  	[spmem:s1] =	stream.indirect.scatter.add.f32 [tilespmem:s21], [sflag:$0x3], $0x40, s20, s17, $0xb8;
	[tilespmem:$0x1A800] =	vst v63  }
0x84: {  	_ =	swait.ge [sflag:s16], $0x8000  }
0x85: {  	[sflag:s16] =	ssyncset.done $0x0  }
0x86: {  	[sflag:s16] =	ssyncadd.s32 $0xFFFF8000  }
0x87: {  	[tilespmem:s19], [sflag:$0x3] =	stream.linear.gather [hbm4b:s9+s2], $0x200, $0x38;
	[tilespmem:$0x1A800] =	vst v63  }
0x88: {  	_ =	swait.ge [sflag:s16], $0x200  }
0x89: {  	[sflag:s16] =	ssyncset.done $0x0  }
0x8a: {  	[sflag:s16] =	ssyncadd.s32 $0xFFFFFE00  }
0x8b: {  	[tilespmem:s20], [sflag:$0x3] =	stream.linear.gather [hbm4b:s10+s2], $0x200, $0x38;
	[tilespmem:$0x1A800] =	vst v63  }
0x8c: {  	_ =	swait.ge [sflag:s16], $0x200  }
0x8d: {  	[sflag:s16] =	ssyncset.done $0x0  }
0x8e: {  	[sflag:s16] =	ssyncadd.s32 $0xFFFFFE00  }
0x8f: {  	[tilespmem:s21], [sflag:$0x2] =	stream.indirect.gather [hbm4b:s3+s17], $0x40, s19, s17, $0xb8;
	[tilespmem:$0x1A800] =	vst v63  }
0x90: {  	_ =	swait.ge [sflag:s22], $0x8000  }
0x91: {  	[sflag:s22] =	ssyncset.done $0x0  }
0x92: {  	[sflag:s22] =	ssyncadd.s32 $0xFFFF8000  }
0x93: {  	[spmem:s1] =	stream.indirect.scatter.add.f32 [tilespmem:s18], [sflag:$0x3], $0x40, s17, s17, $0xb8;
	[tilespmem:$0x1A800] =	vst v63  }
0x94: {  	_ =	swait.ge [sflag:s16], $0x8000  }
0x95: {  	[sflag:s16] =	ssyncset.done $0x0  }
0x96: {  	[sflag:s16] =	ssyncadd.s32 $0xFFFF8000  }
0x97: {  	_ =	swait.ge [sflag:s23], $0x8000  }
0x98: {  	[sflag:s23] =	ssyncset.done $0x0  }
0x99: {  	[sflag:s23] =	ssyncadd.s32 $0xFFFF8000  }
0x9a: {  	[spmem:s1] =	stream.indirect.scatter.add.f32 [tilespmem:s21], [sflag:$0x3], $0x40, s20, s17, $0xb8;
	[tilespmem:$0x1A800] =	vst v63  }
0x9b: {  	_ =	swait.ge [sflag:s16], $0x8000  }
0x9c: {  	[sflag:s16] =	ssyncset.done $0x0  }
0x9d: {  	s24 =	sadd.s32 $0x1, s24;
	[sflag:s16] =	ssyncadd.s32 $0xFFFF8000  }
0x9e: {  	s25 =	simm.s32 @!p0 $0x1C03;
	p1 =	sne.s32 s24, s8;
	[bflag:$0x0] =	sbarrier.arrive $0xFFFF  }
0x9f: {  	[hbm:s7], [sflag:s25] =	dma.local @!p0 [spmem:s15], $0x14000  }
.Ltmp1:
0xa0: {  	_ = 	snop;
	(pc) =	sbr.rel @p1 .LBB2_1-.Ltmp1, $4  }
0xa1: {  	s25 =	simm.s32 @!p0 $0x3  }
0xa2: {  	_ =	swait.ge @!p0 [sflag:s25], $0x14000  }
0xa3: {  	[sflag:s25] =	ssyncset.done @!p0 $0x0  }
0xa4: {  	[sflag:s25] =	ssyncadd.s32 @!p0 $0xFFFEC000  }
0xa5: {  	_ =	sfence.sel $0x180000  }
0xa6: {  	[bflag:$0x0] =	sbarrier.arrive $0xFFFF  }
0xa7: {  	_ =	strace $0x9000004A  }
0xa8: {  	s0 =	sadd.s32 @!p0 $0x100000, s0;
	[bflag:$0x2] =	sbarrier.arrive $0xFFFF  }
0xa9: {  	[sflag:s0] =	ssyncadd.tile.s32 @!p0 $0x1;
	_ =	shalt  }
.Lfunc_end2:
_tile_overlayer_lowered:
.L_overlay_start_2:
0xaa: {  	(tag) =	ssettag $0x2  }
0xab: {  	s0 =	rddreg [dreg:$0x0];
	s2 =	stileid.u32  }
0xac: {  	s1 =	rddreg [dreg:$0x1];
	p0 =	sne.s32 s2, $0x0  }
0xad: {  	s3 =	rddreg [dreg:$0x2];
	[bflag:$0x3] =	sbarrier.arrive $0xFFFF;
	s2 =	simm.s32 @!p0 $0x1C03  }
0xae: {  	[timem:s3], [sflag:s2] =	dma.local @!p0 [hbm:s0], s1  }
0xaf: {  	s0 =	simm.s32 @!p0 $0x3  }
0xb0: {  	_ =	swait.ge @!p0 [sflag:s0], s1  }
0xb1: {  	s1 =	ssub.s32 @!p0 $0x0, s1;
	[sflag:s0] =	ssyncset.done @!p0 $0x0  }
0xb2: {  	[sflag:s0] =	ssyncadd.s32 @!p0 s1  }
0xb3: {  	[bflag:$0x3] =	sbarrier.arrive $0xFFFF  }
0xb4: {  	_ =	shalt  }

// kernel: kernel.7.cloned.1.call-start
scs
__scs_entry_jumppad:
0x0: {  	(pc) =	sbr.rel $0x88, $3  }
0x1: {  	(tag) =	ssettag $0x0;
	lr =	simm.s32 $0x1  }
0x2: {  	[smem:$0x3F9A] =	sst lr;
	_ =	strace $0xD0000000  }
0x3: {  	_ = 	snop  }
0x4: {  	_ = 	snop  }
0x5: {  	_ = 	snop  }
0x6: {  	_ = 	snop  }
0x7: {  	_ = 	snop  }
__scs_overlays_trampoline_lowered:
0x8: {  	[smem:$0x3FA9] =	sst s0  }
0x9: {  	[smem:$0x3FAA] =	sst s1  }
0xa: {  	[smem:$0x3FAB] =	sst s2  }
0xb: {  	[smem:$0x3FAC] =	sst s3  }
0xc: {  	[smem:$0x3FAD] =	sst s4  }
0xd: {  	[smem:$0x3FAE] =	sst s5  }
0xe: {  	[smem:$0x3FAF] =	sst s6  }
0xf: {  	[smem:$0x3FB0] =	sst s7  }
0x10: {  	[smem:$0x3FB1] =	sst s8  }
0x11: {  	[smem:$0x3FB2] =	sst s9;
	s0 =	simm.s32 @!p0 $0x0  }
0x12: {  	s1 =	sld [smem:$0x3F98];
	s0 =	simm.s32 @p0 $0x1  }
0x13: {  	[smem:$0x3FB3] =	sst s0;
	s0 =	simm.s32 @!p1 $0x0  }
0x14: {  	s2 =	sld [smem:$0x3F97];
	s0 =	simm.s32 @p1 $0x1  }
0x15: {  	[smem:$0x3FB4] =	sst s0;
	s0 =	simm.s32 @!p2 $0x0  }
0x16: {  	s3 =	sld [smem:$0x3FDB];
	s0 =	simm.s32 @p2 $0x1  }
0x17: {  	s4 =	simm.s32 $0x1BF5;
	[smem:$0x3FB6] =	sst s0  }
0x18: {  	s0 =	sld [smem:$0x3F99];
	_ =	swait.ge [sflag:s4], $0x0  }
0x19: {  	s7 =	sld [smem:$0x3F9A]  }
0x1a: {  	s8 =	sadd.s32 $0xFFFFE003, lr  }
0x1b: {  	s9 =	sadd.s32 $0xFFFFFEF7, lr;
	s5 =	simm.s32 $0xFFFFFFFF;
	p2 =	slt.u32 s8, $0xFFFFF086  }
0x1c: {  	p1 =	slt.u32 s9, $0xF7A;
	s5 =	simm.s32 @!p2 $0x0  }
0x1d: {  	s5 =	simm.s32 @p1 $0x1;
	p0 =	seq.s32 s7, s2  }
0x1e: {  	s7 =	smul.u32 @!p0 $0xF7A, s2;
	p2 =	seq.s32 @!p0 s5, $0x0  }
0x1f: {  	s9 =	smul.u32 $0xF7A, s1;
	s8 =	simm.s32 @!p0 $0x1BF5;
	p2 =	por !p2, p0  }
0x20: {  	[sflag:s8] =	ssyncset.s32 @!p0 $0xFFFFF086;
	s6 =	sadd.s32 @!p0 s3, s7;
	s7 =	simm.s32 @!p0 $0x108  }
0x21: {  	s3 =	sadd.s32 s3, s9;
	s6 =	sadd.s32 @!p0 $0x88, s6;
	s7 =	simm.s32 @p2 $0x1082  }
0x22: {  	[simem:s7], [sflag:s8] =	dma.local @!p0 [hbm:s6], $0xF7A  }
0x23: {  	s9 =	sor.u32 $0xD0000000, s2;
	s6 =	simm.s32 $0x108;
	_ =	swait.ge @!p0 [sflag:s8], $0x0  }
0x24: {  	s3 =	sadd.s32 $0x88, s3;
	s6 =	simm.s32 @!p1 $0x1082;
	[sflag:s4] =	ssyncset.s32 $0xFFFFF086  }
0x25: {  	[simem:s6], [sflag:s4] =	dma.local [hbm:s3], $0xF7A  }
0x26: {  	[smem:$0x3F9A] =	sst s1;
	(tag) =	ssettag s2;
	_ =	strace s9  }
0x27: {  	s1 =	sld [smem:$0x3FAA]  }
0x28: {  	s2 =	sld [smem:$0x3FAB]  }
0x29: {  	s4 =	sld [smem:$0x3FAD]  }
0x2a: {  	p0 =	seq.s32 s5, $0x0;
	s5 =	sld [smem:$0x3FAE]  }
0x2b: {  	s6 =	sld [smem:$0x3FAF]  }
0x2c: {  	s7 =	sld [smem:$0x3FB0]  }
0x2d: {  	s3 =	simm.s32 $0x108;
	s8 =	sld [smem:$0x3FB1]  }
0x2e: {  	s3 =	simm.s32 @!p0 $0x1082;
	s9 =	sld [smem:$0x3FB2]  }
0x2f: {  	lr =	sadd.s32 s0, s3;
	s0 =	sld [smem:$0x3FA9]  }
0x30: {  	s3 =	sld [smem:$0x3FAC]  }
0x31: {  	[smem:$0x3FB5] =	sst s10  }
0x32: {  	s10 =	sld [smem:$0x3FB3];
	_ =	sdelay $0x3  }
0x33: {  	p0 =	seq.s32 s10, $0x1;
	s10 =	sld [smem:$0x3FB5];
	_ =	sdelay $0x3  }
0x34: {  	[smem:$0x3FB5] =	sst s10  }
0x35: {  	s10 =	sld [smem:$0x3FB4];
	_ =	sdelay $0x3  }
0x36: {  	p1 =	seq.s32 s10, $0x1;
	s10 =	sld [smem:$0x3FB5];
	_ =	sdelay $0x3  }
0x37: {  	[smem:$0x3FB5] =	sst s10  }
0x38: {  	s10 =	sld [smem:$0x3FB6]  }
0x39: {  	_ = 	snop;
	(pc) =	sbr.ind lr, $3  }
0x3a: {  	_ = 	snop  }
0x3b: {  	_ = 	snop  }
0x3c: {  	p2 =	seq.s32 s10, $0x1;
	s10 =	sld [smem:$0x3FB5]  }
0x3d: {  	_ =	shalt  }
0x3e: {  	_ =	shalt  }
0x3f: {  	_ =	shalt  }
0x40: {  	_ =	shalt  }
0x41: {  	_ =	shalt  }
0x42: {  	_ =	shalt  }
0x43: {  	_ =	shalt  }
0x44: {  	_ =	shalt  }
0x45: {  	_ =	shalt  }
0x46: {  	_ =	shalt  }
0x47: {  	_ =	shalt  }
0x48: {  	_ =	shalt  }
0x49: {  	_ =	shalt  }
0x4a: {  	_ =	shalt  }
0x4b: {  	_ =	shalt  }
0x4c: {  	_ =	shalt  }
0x4d: {  	_ =	shalt  }
0x4e: {  	_ =	shalt  }
0x4f: {  	_ =	shalt  }
0x50: {  	_ =	shalt  }
0x51: {  	_ =	shalt  }
0x52: {  	_ =	shalt  }
0x53: {  	_ =	shalt  }
0x54: {  	_ =	shalt  }
0x55: {  	_ =	shalt  }
0x56: {  	_ =	shalt  }
0x57: {  	_ =	shalt  }
0x58: {  	_ =	shalt  }
0x59: {  	_ =	shalt  }
0x5a: {  	_ =	shalt  }
0x5b: {  	_ =	shalt  }
0x5c: {  	_ =	shalt  }
0x5d: {  	_ =	shalt  }
0x5e: {  	_ =	shalt  }
0x5f: {  	_ =	shalt  }
0x60: {  	_ =	shalt  }
0x61: {  	_ =	shalt  }
0x62: {  	_ =	shalt  }
0x63: {  	_ =	shalt  }
0x64: {  	_ =	shalt  }
0x65: {  	_ =	shalt  }
0x66: {  	_ =	shalt  }
0x67: {  	_ =	shalt  }
0x68: {  	_ =	shalt  }
0x69: {  	_ =	shalt  }
0x6a: {  	_ =	shalt  }
0x6b: {  	_ =	shalt  }
0x6c: {  	_ =	shalt  }
0x6d: {  	_ =	shalt  }
0x6e: {  	_ =	shalt  }
0x6f: {  	_ =	shalt  }
0x70: {  	_ =	shalt  }
0x71: {  	_ =	shalt  }
0x72: {  	_ =	shalt  }
0x73: {  	_ =	shalt  }
0x74: {  	_ =	shalt  }
0x75: {  	_ =	shalt  }
0x76: {  	_ =	shalt  }
0x77: {  	_ =	shalt  }
0x78: {  	_ =	shalt  }
0x79: {  	_ =	shalt  }
0x7a: {  	_ =	shalt  }
0x7b: {  	_ =	shalt  }
0x7c: {  	_ =	shalt  }
0x7d: {  	_ =	shalt  }
0x7e: {  	_ =	shalt  }
0x7f: {  	_ =	shalt  }
0x80: {  	_ =	shalt  }
0x81: {  	_ =	shalt  }
0x82: {  	_ =	shalt  }
0x83: {  	_ =	shalt  }
0x84: {  	_ =	shalt  }
0x85: {  	_ =	shalt  }
0x86: {  	_ =	shalt  }
0x87: {  	_ =	shalt  }
.Lfunc_end0:
.L_simem_size_0:
called_computation_lowered:
.L_overlay_start_0:
0x88: {  	s2 =	sld [smem:$0x3FD9]  }
0x89: {  	s3 =	sld [smem:$0x3FFE];
	_ =	sdelay $0x1  }
0x8a: {  	s1 =	srdreg.scid  }
0x8b: {  	s0 =	sand.u32 $0x1, s1  }
0x8c: {  	s14 =	sshll.u32 s0, $0xA;
	s2 =	sadd.s32 s3, s2  }
0x8d: {  	s2 =	sadd.s32 s2, s14  }
0x8e: {  	[smem:$0x3FC1] =	sst s2  }
0x8f: {  	_ = 	snop  }
0x90: {  	s2 =	sld [smem:$0x3FD0];
	_ =	sdelay $0x2  }
0x91: {  	s15 =	simm.s32 $0xB;
	s4 =	simm.s32 $0x10  }
0x92: {  	[smem:s4], [sflag:s15] =	dma.local [hbm:s2], $0x1  }
0x93: {  	_ =	swait.eq [sflag:s15], $0x1  }
0x94: {  	[sflag:s15] =	ssyncset.done $0x0  }
0x95: {  	s16 =	sld [smem:$0x12];
	[sflag:s15] =	ssyncadd.s32 $0xFFFFFFFF  }
0x96: {  	s17 =	sld [smem:$0x14];
	(tm) =	ssettm $0x1  }
0x97: {  	s18 =	sld [smem:$0x3FFB];
	_ =	sdelay $0x3  }
0x98: {  	_ =	strace s18  }
0x99: {  	s4 =	sld [smem:$0x3FFC];
	_ =	sdelay $0x3  }
0x9a: {  	_ =	strace s4  }
0x9b: {  	s4 =	sld [smem:$0x3FFD];
	_ =	sdelay $0x3  }
0x9c: {  	_ =	strace s4  }
0x9d: {  	_ =	strace $0x8FFFFFFF  }
0x9e: {  	s19 =	sld [smem:$0x3FDB];
	_ =	sdelay $0x1  }
0x9f: {  	s5 =	simm.s32 $_scs_section_size  }
0xa0: {  	s6 =	simm.s32 $_size__tile_overlayer_lowered;
	s7 =	simm.s32 $_tile_overlayer_lowered  }
0xa1: {  	s22 =	simm.s32 $0x1BFF;
	s21 =	sshll.u32 s7, $0x1;
	s4 =	sadd.s32 s5, s19  }
0xa2: {  	s8 =	simm.s32 $0x0;
	s20 =	sshll.u32 s6, $0x1;
	s6 =	sadd.s32 s21, s4  }
0xa3: {  	[timem:s8], [sflag:s22] =	dma.local [hbm:s6], s20  }
0xa4: {  	_ =	swait.ge [sflag:s22], s20  }
0xa5: {  	s5 =	ssub.s32 $0x0, s20;
	[sflag:s22] =	ssyncset.done $0x0  }
0xa6: {  	[sflag:s22] =	ssyncadd.s32 s5;
	_ =	sdelay $0x1  }
0xa7: {  	s23 =	simm.s32 $0x1B8B  }
0xa8: {  	_ =	swait.ge [sflag:s23], $0x1  }
0xa9: {  	[sflag:s23] =	ssyncset.done $0x0  }
0xaa: {  	s25 =	simm.s32 $0x1B8E;
	s24 =	sld [smem:$0x3FFE];
	[sflag:s23] =	ssyncadd.s32 $0xFFFFFFFF  }
0xab: {  	s26 =	simm.s32 $execute0_lowered;
	[smem:$0x3FD2] =	sst s25  }
0xac: {  	s6 =	sshll.u32 s26, $0x1;
	_ =	strace $0x80000046;
	[dreg:$0x1] =	wrdreg $0xFFFFFFFF  }
0xad: {  	s28 =	simm.s32 $_size_execute0_lowered;
	s4 =	sadd.s32 s4, s6;
	[dreg:$0x0] =	wrdreg $0x0  }
0xae: {  	s6 =	sshll.u32 s28, $0x1;
	[dreg:$0x2] =	wrdreg s4  }
0xaf: {  	[dreg:$0x3] =	wrdreg s6  }
0xb0: {  	[dreg:$0x4] =	wrdreg $0xC0  }
0xb1: {  	_ =	task [dreg:s8], $0x5FFFF  }
0xb2: {  	[dreg:$0x1] =	wrdreg $0xFFFFFFFF  }
0xb3: {  	[dreg:$0x0] =	wrdreg $0x60  }
0xb4: {  	[dreg:$0x2] =	wrdreg s16  }
0xb5: {  	[dreg:$0x3] =	wrdreg s24  }
0xb6: {  	[dreg:$0x4] =	wrdreg s17  }
0xb7: {  	[dreg:$0x5] =	wrdreg $0x10000  }
0xb8: {  	[dreg:$0x6] =	wrdreg $0x9  }
0xb9: {  	_ =	task.clear_ibuf [dreg:s8], $0x7FFFF;
	_ =	strace $0x90000046  }
0xba: {  	s29 =	simm.s32 $0x9;
	_ =	strace $0x80000048  }
0xbb: {  	_ =	swait.ge [sflag:s29], $0x1  }
0xbc: {  	[sflag:s29] =	ssyncadd.s32 $0xFFFFFFFF  }
0xbd: {  	_ =	strace $0x90000048  }
0xbe: {  	_ =	sfence  }
0xbf: {  	s30 =	sld [smem:$0x0];
	_ =	sdelay $0x2  }
0xc0: {  	s31 =	sshll.u32 s1, $0xD;
	s1 =	sshrl.u32 s1, $0x2  }
0xc1: {  	s3 =	sand.u32 $0x4000, s31;
	s1 =	sadd.s32 s1, s30  }
0xc2: {  	s0 =	sor.u32 s3, s0;
	s1 =	sshll.u32 s1, $0x11  }
0xc3: {  	s0 =	sor.u32 s1, s0  }
0xc4: {  	s0 =	sadd.s32 $0x8F2B, s0  }
0xc5: {  	[sflag:s0] =	ssyncadd.remote.s32 $0x1  }
0xc6: {  	_ =	sfence.sel $0xFFFF  }
0xc7: {  	[dreg:$0x0] =	wrdreg $0xFFFFFFFF;
	(pc) =	sbr.abs _section_cstart, $3  }
0xc8: {  	[dreg:$0x1] =	wrdreg $0xFFFFFFFF  }
0xc9: {  	_ =	task.clear_ibuf [dreg:s8], $0x2FFFF;
	_ =	strace $0x9FFFFFFF  }
0xca: {  	(tm) =	ssettm $0x7FFFFFFF  }
0xcb: {  	_ =	shalt  }
tec
execute0_lowered:
.L_overlay_start_1:
0x0: {  	(tag) =	ssettag $0x1  }
0x1: {  	s4 =	rddreg [dreg:$0x0]  }
0x2: {  	s3 =	rddreg [dreg:$0x1]  }
0x3: {  	s16 =	rddreg [dreg:$0x2]  }
0x4: {  	s0 =	srdreg.scid;
	s1 =	rddreg [dreg:$0x3]  }
0x5: {  	s7 =	stileid.u32;
	s2 =	simm.s32 $0x0;
	s5 =	sand.u32 $0x1, s0  }
0x6: {  	s0 =	rddreg [dreg:$0x4];
	s6 =	sshll.u32 s5, $0x4;
	s5 =	ssub.s32 $0x2, s5  }
0x7: {  	p1 =	por $0x0, $0x0;
	[smem:$0x7FF] =	sst s2;
	s30 =	sshrl.u32 s5, $0x1  }
0x8: {  	s18 =	sadd.s32 $0xE00, s3;
	p0 =	sne.s32 s7, $0x0;
	s5 =	ssub.s32 s5, s30  }
0x9: {  	_ =	strace $0x80000047;
	s8 =	sor.u32 s7, s6;
	s31 =	smax.u32 s5, $0x1  }
0xa: {  	s3 =	sadd.s32 s6, s3;
	s8 =	smul.u32 $0x4E20, s8;
	s22 =	sadd.s32 $0xFFFFFFFF, s31  }
0xb: {  	s7 =	simm.s32 $0x800;
	s3 =	sadd.s32 $0x1000, s3;
	p2 =	sne.s32 s22, $0x0  }
.Ltmp0:
0xc: {  	s5 =	simm.s32 $0x1;
	s8 =	sshrl.u32 s8, $0x3;
	(pc) =	sbr.rel @!p2 .LBB2_3-.Ltmp0, $4  }
0xd: {  	s19 =	sadd.s32 s4, s8;
	s4 =	sshrl.u32 @!p0 s1, $0x3;
	s8 =	simm.s32 $0x7D0  }
0xe: {  	s17 =	sadd.s32 $0xFA, s19;
	s15 =	sadd.s32 $0x1F4, s19;
	s14 =	sadd.s32 $0x2EE, s19  }
0xf: {  	s13 =	sadd.s32 $0x3E8, s19;
	s12 =	sadd.s32 $0x4E2, s19;
	s11 =	sadd.s32 $0x5DC, s19  }
0x10: {  	s10 =	sadd.s32 $0x6D6, s19;
	s9 =	sadd.s32 $0x7D0, s19;
	s6 =	sadd.s32 $0x8CA, s19  }
0x11: {  	s21 =	simm.s32 @!p0 $0x1C01;
	s20 =	simm.s32 @!p0 $0x1  }
0x12: {  	[spmem:s4], [sflag:s21] =	dma.local @!p0 [hbm:s16], $0x500  }
0x13: {  	_ =	swait.ge @!p0 [sflag:s20], $0x500  }
0x14: {  	[sflag:s20] =	ssyncset.done @!p0 $0x0  }
0x15: {  	[sflag:s20] =	ssyncadd.s32 @!p0 $0xFFFFFB00  }
0x16: {  	[tilespmem:s7], [sflag:$0x1] =	stream.linear.gather [hbm4b:s18+s2], $0x800, $0x38;
	[tilespmem:$0x1280] =	vst v63  }
0x17: {  	_ =	swait.ge [sflag:s5], $0x800  }
0x18: {  	[sflag:s5] =	ssyncset.done $0x0  }
0x19: {  	[sflag:s5] =	ssyncadd.s32 $0xFFFFF800  }
0x1a: {  	[bflag:$0x0] =	sbarrier.arrive $0xFFFF  }
0x1b: {  	[tilespmem:s2], [sflag:$0x1] =	stream.linear.gather [hbm4b:s19+s2], $0x7D0, $0x38;
	[tilespmem:$0x1280] =	vst v63  }
0x1c: {  	_ =	swait.ge [sflag:s5], $0x7D0  }
0x1d: {  	[sflag:s5] =	ssyncset.done $0x0  }
0x1e: {  	[sflag:s5] =	ssyncadd.s32 $0xFFFFF830  }
0x1f: {  	[spmem:s1] =	stream.indirect.scatter.add.f32 [tilespmem:s7], [sflag:$0x1], $0x1, s2, s8, $0xb8;
	[tilespmem:$0x1280] =	vst v63  }
0x20: {  	_ =	swait.ge [sflag:s5], $0x7D0  }
0x21: {  	[sflag:s5] =	ssyncset.done $0x0  }
0x22: {  	[sflag:s5] =	ssyncadd.s32 $0xFFFFF830  }
0x23: {  	[tilespmem:s2], [sflag:$0x1] =	stream.linear.gather [hbm4b:s17+s2], $0x7D0, $0x38;
	[tilespmem:$0x1280] =	vst v63  }
0x24: {  	_ =	swait.ge [sflag:s5], $0x7D0  }
0x25: {  	[sflag:s5] =	ssyncset.done $0x0  }
0x26: {  	[sflag:s5] =	ssyncadd.s32 $0xFFFFF830  }
0x27: {  	[spmem:s1] =	stream.indirect.scatter.add.f32 [tilespmem:s7], [sflag:$0x1], $0x1, s2, s8, $0xb8;
	[tilespmem:$0x1280] =	vst v63  }
0x28: {  	_ =	swait.ge [sflag:s5], $0x7D0  }
0x29: {  	[sflag:s5] =	ssyncset.done $0x0  }
0x2a: {  	[sflag:s5] =	ssyncadd.s32 $0xFFFFF830  }
0x2b: {  	[tilespmem:s2], [sflag:$0x1] =	stream.linear.gather [hbm4b:s15+s2], $0x7D0, $0x38;
	[tilespmem:$0x1280] =	vst v63  }
0x2c: {  	_ =	swait.ge [sflag:s5], $0x7D0  }
0x2d: {  	[sflag:s5] =	ssyncset.done $0x0  }
0x2e: {  	[sflag:s5] =	ssyncadd.s32 $0xFFFFF830  }
0x2f: {  	[spmem:s1] =	stream.indirect.scatter.add.f32 [tilespmem:s7], [sflag:$0x1], $0x1, s2, s8, $0xb8;
	[tilespmem:$0x1280] =	vst v63  }
0x30: {  	_ =	swait.ge [sflag:s5], $0x7D0  }
0x31: {  	[sflag:s5] =	ssyncset.done $0x0  }
0x32: {  	[sflag:s5] =	ssyncadd.s32 $0xFFFFF830  }
0x33: {  	[tilespmem:s2], [sflag:$0x1] =	stream.linear.gather [hbm4b:s14+s2], $0x7D0, $0x38;
	[tilespmem:$0x1280] =	vst v63  }
0x34: {  	_ =	swait.ge [sflag:s5], $0x7D0  }
0x35: {  	[sflag:s5] =	ssyncset.done $0x0  }
0x36: {  	[sflag:s5] =	ssyncadd.s32 $0xFFFFF830  }
0x37: {  	[spmem:s1] =	stream.indirect.scatter.add.f32 [tilespmem:s7], [sflag:$0x1], $0x1, s2, s8, $0xb8;
	[tilespmem:$0x1280] =	vst v63  }
0x38: {  	_ =	swait.ge [sflag:s5], $0x7D0  }
0x39: {  	[sflag:s5] =	ssyncset.done $0x0  }
0x3a: {  	[sflag:s5] =	ssyncadd.s32 $0xFFFFF830  }
0x3b: {  	[tilespmem:s2], [sflag:$0x1] =	stream.linear.gather [hbm4b:s13+s2], $0x7D0, $0x38;
	[tilespmem:$0x1280] =	vst v63  }
0x3c: {  	_ =	swait.ge [sflag:s5], $0x7D0  }
0x3d: {  	[sflag:s5] =	ssyncset.done $0x0  }
0x3e: {  	[sflag:s5] =	ssyncadd.s32 $0xFFFFF830  }
0x3f: {  	[spmem:s1] =	stream.indirect.scatter.add.f32 [tilespmem:s7], [sflag:$0x1], $0x1, s2, s8, $0xb8;
	[tilespmem:$0x1280] =	vst v63  }
0x40: {  	_ =	swait.ge [sflag:s5], $0x7D0  }
0x41: {  	[sflag:s5] =	ssyncset.done $0x0  }
0x42: {  	[sflag:s5] =	ssyncadd.s32 $0xFFFFF830  }
0x43: {  	[tilespmem:s2], [sflag:$0x1] =	stream.linear.gather [hbm4b:s12+s2], $0x7D0, $0x38;
	[tilespmem:$0x1280] =	vst v63  }
0x44: {  	_ =	swait.ge [sflag:s5], $0x7D0  }
0x45: {  	[sflag:s5] =	ssyncset.done $0x0  }
0x46: {  	[sflag:s5] =	ssyncadd.s32 $0xFFFFF830  }
0x47: {  	[spmem:s1] =	stream.indirect.scatter.add.f32 [tilespmem:s7], [sflag:$0x1], $0x1, s2, s8, $0xb8;
	[tilespmem:$0x1280] =	vst v63  }
0x48: {  	_ =	swait.ge [sflag:s5], $0x7D0  }
0x49: {  	[sflag:s5] =	ssyncset.done $0x0  }
0x4a: {  	[sflag:s5] =	ssyncadd.s32 $0xFFFFF830  }
0x4b: {  	[tilespmem:s2], [sflag:$0x1] =	stream.linear.gather [hbm4b:s11+s2], $0x7D0, $0x38;
	[tilespmem:$0x1280] =	vst v63  }
0x4c: {  	_ =	swait.ge [sflag:s5], $0x7D0  }
0x4d: {  	[sflag:s5] =	ssyncset.done $0x0  }
0x4e: {  	[sflag:s5] =	ssyncadd.s32 $0xFFFFF830  }
0x4f: {  	[spmem:s1] =	stream.indirect.scatter.add.f32 [tilespmem:s7], [sflag:$0x1], $0x1, s2, s8, $0xb8;
	[tilespmem:$0x1280] =	vst v63  }
0x50: {  	_ =	swait.ge [sflag:s5], $0x7D0  }
0x51: {  	[sflag:s5] =	ssyncset.done $0x0  }
0x52: {  	[sflag:s5] =	ssyncadd.s32 $0xFFFFF830  }
0x53: {  	[tilespmem:s2], [sflag:$0x1] =	stream.linear.gather [hbm4b:s10+s2], $0x7D0, $0x38;
	[tilespmem:$0x1280] =	vst v63  }
0x54: {  	_ =	swait.ge [sflag:s5], $0x7D0  }
0x55: {  	[sflag:s5] =	ssyncset.done $0x0  }
0x56: {  	[sflag:s5] =	ssyncadd.s32 $0xFFFFF830  }
0x57: {  	[spmem:s1] =	stream.indirect.scatter.add.f32 [tilespmem:s7], [sflag:$0x1], $0x1, s2, s8, $0xb8;
	[tilespmem:$0x1280] =	vst v63  }
0x58: {  	_ =	swait.ge [sflag:s5], $0x7D0  }
0x59: {  	[sflag:s5] =	ssyncset.done $0x0  }
0x5a: {  	[sflag:s5] =	ssyncadd.s32 $0xFFFFF830  }
0x5b: {  	[tilespmem:s2], [sflag:$0x1] =	stream.linear.gather [hbm4b:s9+s2], $0x7D0, $0x38;
	[tilespmem:$0x1280] =	vst v63  }
0x5c: {  	_ =	swait.ge [sflag:s5], $0x7D0  }
0x5d: {  	[sflag:s5] =	ssyncset.done $0x0  }
0x5e: {  	[sflag:s5] =	ssyncadd.s32 $0xFFFFF830  }
0x5f: {  	[spmem:s1] =	stream.indirect.scatter.add.f32 [tilespmem:s7], [sflag:$0x1], $0x1, s2, s8, $0xb8;
	[tilespmem:$0x1280] =	vst v63  }
0x60: {  	_ =	swait.ge [sflag:s5], $0x7D0  }
0x61: {  	[sflag:s5] =	ssyncset.done $0x0  }
0x62: {  	[sflag:s5] =	ssyncadd.s32 $0xFFFFF830  }
0x63: {  	[tilespmem:s2], [sflag:$0x1] =	stream.linear.gather [hbm4b:s6+s2], $0x7D0, $0x38;
	[tilespmem:$0x1280] =	vst v63  }
0x64: {  	_ =	swait.ge [sflag:s5], $0x7D0  }
0x65: {  	[sflag:s5] =	ssyncset.done $0x0  }
0x66: {  	[sflag:s5] =	ssyncadd.s32 $0xFFFFF830  }
0x67: {  	[spmem:s1] =	stream.indirect.scatter.add.f32 [tilespmem:s7], [sflag:$0x1], $0x1, s2, s8, $0xb8;
	[tilespmem:$0x1280] =	vst v63  }
0x68: {  	s22 =	sadd.s32 $0xFFFFFFFF, s22;
	_ =	swait.ge [sflag:s5], $0x7D0  }
0x69: {  	p2 =	sne.s32 s22, $0x0;
	[sflag:s5] =	ssyncset.done $0x0  }
.Ltmp1:
0x6a: {  	[sflag:s5] =	ssyncadd.s32 $0xFFFFF830;
	(pc) =	sbr.rel @!p2 .LBB2_3-.Ltmp1, $4  }
0x6b: {  	s23 =	simm.s32 @!p0 $0x20;
	s24 =	simm.s32 @!p0 $0x10;
	[bflag:$0x0] =	sbarrier.arrive $0xFFFF  }
0x6c: {  	[hbm:s3@s23], [sflag:s21] =	dma.strided @!p0 [spmem:s4@s24], $0x500, s20, $0x10   }
0x6d: {  	_ =	swait.ge @!p0 [sflag:s20], $0x500  }
0x6e: {  	p1 =	por $0x1, $0x1;
	[sflag:s20] =	ssyncset.done @!p0 $0x0  }
.LBB2_2:
0x6f: {  	[sflag:s20] =	ssyncadd.s32 @!p0 $0xFFFFFB00  }
0x70: {  	[spmem:s4], [sflag:s21] =	dma.local @!p0 [hbm:s16], $0x500  }
0x71: {  	s22 =	sadd.s32 $0xFFFFFFFF, s22;
	_ =	swait.ge @!p0 [sflag:s20], $0x500  }
0x72: {  	p2 =	sne.s32 s22, $0x0;
	[sflag:s20] =	ssyncset.done @!p0 $0x0  }
0x73: {  	[sflag:s20] =	ssyncadd.s32 @!p0 $0xFFFFFB00  }
0x74: {  	[tilespmem:s7], [sflag:$0x1] =	stream.linear.gather [hbm4b:s18+s2], $0x800, $0x38;
	[tilespmem:$0x1280] =	vst v63  }
0x75: {  	_ =	swait.ge [sflag:s5], $0x800  }
0x76: {  	[sflag:s5] =	ssyncset.done $0x0  }
0x77: {  	[sflag:s5] =	ssyncadd.s32 $0xFFFFF800  }
0x78: {  	[bflag:$0x0] =	sbarrier.arrive $0xFFFF  }
0x79: {  	[tilespmem:s2], [sflag:$0x1] =	stream.linear.gather [hbm4b:s19+s2], $0x7D0, $0x38;
	[tilespmem:$0x1280] =	vst v63  }
0x7a: {  	_ =	swait.ge [sflag:s5], $0x7D0  }
0x7b: {  	[sflag:s5] =	ssyncset.done $0x0  }
0x7c: {  	[sflag:s5] =	ssyncadd.s32 $0xFFFFF830  }
0x7d: {  	[spmem:s1] =	stream.indirect.scatter.add.f32 [tilespmem:s7], [sflag:$0x1], $0x1, s2, s8, $0xb8;
	[tilespmem:$0x1280] =	vst v63  }
0x7e: {  	_ =	swait.ge [sflag:s5], $0x7D0  }
0x7f: {  	[sflag:s5] =	ssyncset.done $0x0  }
0x80: {  	[sflag:s5] =	ssyncadd.s32 $0xFFFFF830  }
0x81: {  	[tilespmem:s2], [sflag:$0x1] =	stream.linear.gather [hbm4b:s17+s2], $0x7D0, $0x38;
	[tilespmem:$0x1280] =	vst v63  }
0x82: {  	_ =	swait.ge [sflag:s5], $0x7D0  }
0x83: {  	[sflag:s5] =	ssyncset.done $0x0  }
0x84: {  	[sflag:s5] =	ssyncadd.s32 $0xFFFFF830  }
0x85: {  	[spmem:s1] =	stream.indirect.scatter.add.f32 [tilespmem:s7], [sflag:$0x1], $0x1, s2, s8, $0xb8;
	[tilespmem:$0x1280] =	vst v63  }
0x86: {  	_ =	swait.ge [sflag:s5], $0x7D0  }
0x87: {  	[sflag:s5] =	ssyncset.done $0x0  }
0x88: {  	[sflag:s5] =	ssyncadd.s32 $0xFFFFF830  }
0x89: {  	[tilespmem:s2], [sflag:$0x1] =	stream.linear.gather [hbm4b:s15+s2], $0x7D0, $0x38;
	[tilespmem:$0x1280] =	vst v63  }
0x8a: {  	_ =	swait.ge [sflag:s5], $0x7D0  }
0x8b: {  	[sflag:s5] =	ssyncset.done $0x0  }
0x8c: {  	[sflag:s5] =	ssyncadd.s32 $0xFFFFF830  }
0x8d: {  	[spmem:s1] =	stream.indirect.scatter.add.f32 [tilespmem:s7], [sflag:$0x1], $0x1, s2, s8, $0xb8;
	[tilespmem:$0x1280] =	vst v63  }
0x8e: {  	_ =	swait.ge [sflag:s5], $0x7D0  }
0x8f: {  	[sflag:s5] =	ssyncset.done $0x0  }
0x90: {  	[sflag:s5] =	ssyncadd.s32 $0xFFFFF830  }
0x91: {  	[tilespmem:s2], [sflag:$0x1] =	stream.linear.gather [hbm4b:s14+s2], $0x7D0, $0x38;
	[tilespmem:$0x1280] =	vst v63  }
0x92: {  	_ =	swait.ge [sflag:s5], $0x7D0  }
0x93: {  	[sflag:s5] =	ssyncset.done $0x0  }
0x94: {  	[sflag:s5] =	ssyncadd.s32 $0xFFFFF830  }
0x95: {  	[spmem:s1] =	stream.indirect.scatter.add.f32 [tilespmem:s7], [sflag:$0x1], $0x1, s2, s8, $0xb8;
	[tilespmem:$0x1280] =	vst v63  }
0x96: {  	_ =	swait.ge [sflag:s5], $0x7D0  }
0x97: {  	[sflag:s5] =	ssyncset.done $0x0  }
0x98: {  	[sflag:s5] =	ssyncadd.s32 $0xFFFFF830  }
0x99: {  	[tilespmem:s2], [sflag:$0x1] =	stream.linear.gather [hbm4b:s13+s2], $0x7D0, $0x38;
	[tilespmem:$0x1280] =	vst v63  }
0x9a: {  	_ =	swait.ge [sflag:s5], $0x7D0  }
0x9b: {  	[sflag:s5] =	ssyncset.done $0x0  }
0x9c: {  	[sflag:s5] =	ssyncadd.s32 $0xFFFFF830  }
0x9d: {  	[spmem:s1] =	stream.indirect.scatter.add.f32 [tilespmem:s7], [sflag:$0x1], $0x1, s2, s8, $0xb8;
	[tilespmem:$0x1280] =	vst v63  }
0x9e: {  	_ =	swait.ge [sflag:s5], $0x7D0  }
0x9f: {  	[sflag:s5] =	ssyncset.done $0x0  }
0xa0: {  	[sflag:s5] =	ssyncadd.s32 $0xFFFFF830  }
0xa1: {  	[tilespmem:s2], [sflag:$0x1] =	stream.linear.gather [hbm4b:s12+s2], $0x7D0, $0x38;
	[tilespmem:$0x1280] =	vst v63  }
0xa2: {  	_ =	swait.ge [sflag:s5], $0x7D0  }
0xa3: {  	[sflag:s5] =	ssyncset.done $0x0  }
0xa4: {  	[sflag:s5] =	ssyncadd.s32 $0xFFFFF830  }
0xa5: {  	[spmem:s1] =	stream.indirect.scatter.add.f32 [tilespmem:s7], [sflag:$0x1], $0x1, s2, s8, $0xb8;
	[tilespmem:$0x1280] =	vst v63  }
0xa6: {  	_ =	swait.ge [sflag:s5], $0x7D0  }
0xa7: {  	[sflag:s5] =	ssyncset.done $0x0  }
0xa8: {  	[sflag:s5] =	ssyncadd.s32 $0xFFFFF830  }
0xa9: {  	[tilespmem:s2], [sflag:$0x1] =	stream.linear.gather [hbm4b:s11+s2], $0x7D0, $0x38;
	[tilespmem:$0x1280] =	vst v63  }
0xaa: {  	_ =	swait.ge [sflag:s5], $0x7D0  }
0xab: {  	[sflag:s5] =	ssyncset.done $0x0  }
0xac: {  	[sflag:s5] =	ssyncadd.s32 $0xFFFFF830  }
0xad: {  	[spmem:s1] =	stream.indirect.scatter.add.f32 [tilespmem:s7], [sflag:$0x1], $0x1, s2, s8, $0xb8;
	[tilespmem:$0x1280] =	vst v63  }
0xae: {  	_ =	swait.ge [sflag:s5], $0x7D0  }
0xaf: {  	[sflag:s5] =	ssyncset.done $0x0  }
0xb0: {  	[sflag:s5] =	ssyncadd.s32 $0xFFFFF830  }
0xb1: {  	[tilespmem:s2], [sflag:$0x1] =	stream.linear.gather [hbm4b:s10+s2], $0x7D0, $0x38;
	[tilespmem:$0x1280] =	vst v63  }
0xb2: {  	_ =	swait.ge [sflag:s5], $0x7D0  }
0xb3: {  	[sflag:s5] =	ssyncset.done $0x0  }
0xb4: {  	[sflag:s5] =	ssyncadd.s32 $0xFFFFF830  }
0xb5: {  	[spmem:s1] =	stream.indirect.scatter.add.f32 [tilespmem:s7], [sflag:$0x1], $0x1, s2, s8, $0xb8;
	[tilespmem:$0x1280] =	vst v63  }
0xb6: {  	_ =	swait.ge [sflag:s5], $0x7D0  }
0xb7: {  	[sflag:s5] =	ssyncset.done $0x0  }
0xb8: {  	[sflag:s5] =	ssyncadd.s32 $0xFFFFF830  }
0xb9: {  	[tilespmem:s2], [sflag:$0x1] =	stream.linear.gather [hbm4b:s9+s2], $0x7D0, $0x38;
	[tilespmem:$0x1280] =	vst v63  }
0xba: {  	_ =	swait.ge [sflag:s5], $0x7D0  }
0xbb: {  	[sflag:s5] =	ssyncset.done $0x0  }
0xbc: {  	[sflag:s5] =	ssyncadd.s32 $0xFFFFF830  }
0xbd: {  	[spmem:s1] =	stream.indirect.scatter.add.f32 [tilespmem:s7], [sflag:$0x1], $0x1, s2, s8, $0xb8;
	[tilespmem:$0x1280] =	vst v63  }
0xbe: {  	_ =	swait.ge [sflag:s5], $0x7D0  }
0xbf: {  	[sflag:s5] =	ssyncset.done $0x0  }
0xc0: {  	[sflag:s5] =	ssyncadd.s32 $0xFFFFF830  }
0xc1: {  	[tilespmem:s2], [sflag:$0x1] =	stream.linear.gather [hbm4b:s6+s2], $0x7D0, $0x38;
	[tilespmem:$0x1280] =	vst v63  }
0xc2: {  	_ =	swait.ge [sflag:s5], $0x7D0  }
0xc3: {  	[sflag:s5] =	ssyncset.done $0x0  }
0xc4: {  	[sflag:s5] =	ssyncadd.s32 $0xFFFFF830  }
0xc5: {  	[spmem:s1] =	stream.indirect.scatter.add.f32 [tilespmem:s7], [sflag:$0x1], $0x1, s2, s8, $0xb8;
	[tilespmem:$0x1280] =	vst v63  }
0xc6: {  	_ =	swait.ge [sflag:s5], $0x7D0  }
0xc7: {  	[sflag:s5] =	ssyncset.done $0x0  }
.Ltmp2:
0xc8: {  	[sflag:s5] =	ssyncadd.s32 $0xFFFFF830;
	(pc) =	sbr.rel @p2 .LBB2_2-.Ltmp2, $4  }
0xc9: {  	[bflag:$0x0] =	sbarrier.arrive $0xFFFF  }
0xca: {  	[hbm:s3@s23], [sflag:s21] =	dma.strided @!p0 [spmem:s4@s24], $0x500, s20, $0x10   }
0xcb: {  	_ =	swait.ge @!p0 [sflag:s20], $0x500  }
0xcc: {  	[sflag:s20] =	ssyncset.done @!p0 $0x0  }
.LBB2_3:
0xcd: {  	p1 =	por p0, !p1  }
0xce: {  	s22 =	simm.s32 @!p0 $0x1C01;
	s21 =	simm.s32 @!p0 $0x1;
	[sflag:s20] =	ssyncadd.s32 @!p1 $0xFFFFFB00  }
0xcf: {  	[spmem:s4], [sflag:s22] =	dma.local @!p0 [hbm:s16], $0x500  }
0xd0: {  	_ =	swait.ge @!p0 [sflag:s21], $0x500  }
0xd1: {  	[sflag:s21] =	ssyncset.done @!p0 $0x0  }
0xd2: {  	[sflag:s21] =	ssyncadd.s32 @!p0 $0xFFFFFB00  }
0xd3: {  	[tilespmem:s7], [sflag:$0x1] =	stream.linear.gather [hbm4b:s18+s2], $0x800, $0x38;
	[tilespmem:$0x1280] =	vst v63  }
0xd4: {  	_ =	swait.ge [sflag:s5], $0x800  }
0xd5: {  	[sflag:s5] =	ssyncset.done $0x0  }
0xd6: {  	[sflag:s5] =	ssyncadd.s32 $0xFFFFF800  }
0xd7: {  	[bflag:$0x0] =	sbarrier.arrive $0xFFFF  }
0xd8: {  	[tilespmem:s2], [sflag:$0x1] =	stream.linear.gather [hbm4b:s19+s2], $0x7D0, $0x38;
	[tilespmem:$0x1280] =	vst v63  }
0xd9: {  	_ =	swait.ge [sflag:s5], $0x7D0  }
0xda: {  	[sflag:s5] =	ssyncset.done $0x0  }
0xdb: {  	[sflag:s5] =	ssyncadd.s32 $0xFFFFF830  }
0xdc: {  	[spmem:s1] =	stream.indirect.scatter.add.f32 [tilespmem:s7], [sflag:$0x1], $0x1, s2, s8, $0xb8;
	[tilespmem:$0x1280] =	vst v63  }
0xdd: {  	_ =	swait.ge [sflag:s5], $0x7D0  }
0xde: {  	[sflag:s5] =	ssyncset.done $0x0  }
0xdf: {  	[sflag:s5] =	ssyncadd.s32 $0xFFFFF830  }
0xe0: {  	[tilespmem:s2], [sflag:$0x1] =	stream.linear.gather [hbm4b:s17+s2], $0x7D0, $0x38;
	[tilespmem:$0x1280] =	vst v63  }
0xe1: {  	_ =	swait.ge [sflag:s5], $0x7D0  }
0xe2: {  	[sflag:s5] =	ssyncset.done $0x0  }
0xe3: {  	[sflag:s5] =	ssyncadd.s32 $0xFFFFF830  }
0xe4: {  	[spmem:s1] =	stream.indirect.scatter.add.f32 [tilespmem:s7], [sflag:$0x1], $0x1, s2, s8, $0xb8;
	[tilespmem:$0x1280] =	vst v63  }
0xe5: {  	_ =	swait.ge [sflag:s5], $0x7D0  }
0xe6: {  	[sflag:s5] =	ssyncset.done $0x0  }
0xe7: {  	[sflag:s5] =	ssyncadd.s32 $0xFFFFF830  }
0xe8: {  	[tilespmem:s2], [sflag:$0x1] =	stream.linear.gather [hbm4b:s15+s2], $0x7D0, $0x38;
	[tilespmem:$0x1280] =	vst v63  }
0xe9: {  	_ =	swait.ge [sflag:s5], $0x7D0  }
0xea: {  	[sflag:s5] =	ssyncset.done $0x0  }
0xeb: {  	[sflag:s5] =	ssyncadd.s32 $0xFFFFF830  }
0xec: {  	[spmem:s1] =	stream.indirect.scatter.add.f32 [tilespmem:s7], [sflag:$0x1], $0x1, s2, s8, $0xb8;
	[tilespmem:$0x1280] =	vst v63  }
0xed: {  	_ =	swait.ge [sflag:s5], $0x7D0  }
0xee: {  	[sflag:s5] =	ssyncset.done $0x0  }
0xef: {  	[sflag:s5] =	ssyncadd.s32 $0xFFFFF830  }
0xf0: {  	[tilespmem:s2], [sflag:$0x1] =	stream.linear.gather [hbm4b:s14+s2], $0x7D0, $0x38;
	[tilespmem:$0x1280] =	vst v63  }
0xf1: {  	_ =	swait.ge [sflag:s5], $0x7D0  }
0xf2: {  	[sflag:s5] =	ssyncset.done $0x0  }
0xf3: {  	[sflag:s5] =	ssyncadd.s32 $0xFFFFF830  }
0xf4: {  	[spmem:s1] =	stream.indirect.scatter.add.f32 [tilespmem:s7], [sflag:$0x1], $0x1, s2, s8, $0xb8;
	[tilespmem:$0x1280] =	vst v63  }
0xf5: {  	_ =	swait.ge [sflag:s5], $0x7D0  }
0xf6: {  	[sflag:s5] =	ssyncset.done $0x0  }
0xf7: {  	[sflag:s5] =	ssyncadd.s32 $0xFFFFF830  }
0xf8: {  	[tilespmem:s2], [sflag:$0x1] =	stream.linear.gather [hbm4b:s13+s2], $0x7D0, $0x38;
	[tilespmem:$0x1280] =	vst v63  }
0xf9: {  	_ =	swait.ge [sflag:s5], $0x7D0  }
0xfa: {  	[sflag:s5] =	ssyncset.done $0x0  }
0xfb: {  	[sflag:s5] =	ssyncadd.s32 $0xFFFFF830  }
0xfc: {  	[spmem:s1] =	stream.indirect.scatter.add.f32 [tilespmem:s7], [sflag:$0x1], $0x1, s2, s8, $0xb8;
	[tilespmem:$0x1280] =	vst v63  }
0xfd: {  	_ =	swait.ge [sflag:s5], $0x7D0  }
0xfe: {  	[sflag:s5] =	ssyncset.done $0x0  }
0xff: {  	[sflag:s5] =	ssyncadd.s32 $0xFFFFF830  }
0x100: {  	[tilespmem:s2], [sflag:$0x1] =	stream.linear.gather [hbm4b:s12+s2], $0x7D0, $0x38;
	[tilespmem:$0x1280] =	vst v63  }
0x101: {  	_ =	swait.ge [sflag:s5], $0x7D0  }
0x102: {  	[sflag:s5] =	ssyncset.done $0x0  }
0x103: {  	[sflag:s5] =	ssyncadd.s32 $0xFFFFF830  }
0x104: {  	[spmem:s1] =	stream.indirect.scatter.add.f32 [tilespmem:s7], [sflag:$0x1], $0x1, s2, s8, $0xb8;
	[tilespmem:$0x1280] =	vst v63  }
0x105: {  	_ =	swait.ge [sflag:s5], $0x7D0  }
0x106: {  	[sflag:s5] =	ssyncset.done $0x0  }
0x107: {  	[sflag:s5] =	ssyncadd.s32 $0xFFFFF830  }
0x108: {  	[tilespmem:s2], [sflag:$0x1] =	stream.linear.gather [hbm4b:s11+s2], $0x7D0, $0x38;
	[tilespmem:$0x1280] =	vst v63  }
0x109: {  	_ =	swait.ge [sflag:s5], $0x7D0  }
0x10a: {  	[sflag:s5] =	ssyncset.done $0x0  }
0x10b: {  	[sflag:s5] =	ssyncadd.s32 $0xFFFFF830  }
0x10c: {  	[spmem:s1] =	stream.indirect.scatter.add.f32 [tilespmem:s7], [sflag:$0x1], $0x1, s2, s8, $0xb8;
	[tilespmem:$0x1280] =	vst v63  }
0x10d: {  	_ =	swait.ge [sflag:s5], $0x7D0  }
0x10e: {  	[sflag:s5] =	ssyncset.done $0x0  }
0x10f: {  	[sflag:s5] =	ssyncadd.s32 $0xFFFFF830  }
0x110: {  	[tilespmem:s2], [sflag:$0x1] =	stream.linear.gather [hbm4b:s10+s2], $0x7D0, $0x38;
	[tilespmem:$0x1280] =	vst v63  }
0x111: {  	_ =	swait.ge [sflag:s5], $0x7D0  }
0x112: {  	[sflag:s5] =	ssyncset.done $0x0  }
0x113: {  	[sflag:s5] =	ssyncadd.s32 $0xFFFFF830  }
0x114: {  	[spmem:s1] =	stream.indirect.scatter.add.f32 [tilespmem:s7], [sflag:$0x1], $0x1, s2, s8, $0xb8;
	[tilespmem:$0x1280] =	vst v63  }
0x115: {  	_ =	swait.ge [sflag:s5], $0x7D0  }
0x116: {  	[sflag:s5] =	ssyncset.done $0x0  }
0x117: {  	[sflag:s5] =	ssyncadd.s32 $0xFFFFF830  }
0x118: {  	[tilespmem:s2], [sflag:$0x1] =	stream.linear.gather [hbm4b:s9+s2], $0x7D0, $0x38;
	[tilespmem:$0x1280] =	vst v63  }
0x119: {  	_ =	swait.ge [sflag:s5], $0x7D0  }
0x11a: {  	[sflag:s5] =	ssyncset.done $0x0  }
0x11b: {  	[sflag:s5] =	ssyncadd.s32 $0xFFFFF830  }
0x11c: {  	[spmem:s1] =	stream.indirect.scatter.add.f32 [tilespmem:s7], [sflag:$0x1], $0x1, s2, s8, $0xb8;
	[tilespmem:$0x1280] =	vst v63  }
0x11d: {  	_ =	swait.ge [sflag:s5], $0x7D0  }
0x11e: {  	[sflag:s5] =	ssyncset.done $0x0  }
0x11f: {  	[sflag:s5] =	ssyncadd.s32 $0xFFFFF830  }
0x120: {  	[tilespmem:s2], [sflag:$0x1] =	stream.linear.gather [hbm4b:s6+s2], $0x7D0, $0x38;
	[tilespmem:$0x1280] =	vst v63  }
0x121: {  	_ =	swait.ge [sflag:s5], $0x7D0  }
0x122: {  	[sflag:s5] =	ssyncset.done $0x0  }
0x123: {  	[sflag:s5] =	ssyncadd.s32 $0xFFFFF830  }
0x124: {  	[spmem:s1] =	stream.indirect.scatter.add.f32 [tilespmem:s7], [sflag:$0x1], $0x1, s2, s8, $0xb8;
	[tilespmem:$0x1280] =	vst v63  }
0x125: {  	_ =	swait.ge [sflag:s5], $0x7D0  }
0x126: {  	[sflag:s5] =	ssyncset.done $0x0  }
0x127: {  	[sflag:s5] =	ssyncadd.s32 $0xFFFFF830  }
0x128: {  	s1 =	simm.s32 @!p0 $0x20;
	s2 =	simm.s32 @!p0 $0x10;
	[bflag:$0x0] =	sbarrier.arrive $0xFFFF  }
0x129: {  	[hbm:s3@s1], [sflag:s22] =	dma.strided @!p0 [spmem:s4@s2], $0x500, s21, $0x10   }
0x12a: {  	_ =	swait.ge @!p0 [sflag:s21], $0x500  }
0x12b: {  	[sflag:s21] =	ssyncset.done @!p0 $0x0  }
0x12c: {  	[sflag:s21] =	ssyncadd.s32 @!p0 $0xFFFFFB00  }
0x12d: {  	_ =	sfence.sel $0x180000  }
0x12e: {  	[bflag:$0x0] =	sbarrier.arrive $0xFFFF  }
0x12f: {  	_ =	strace $0x90000047  }
0x130: {  	s0 =	sadd.s32 @!p0 $0x100000, s0;
	[bflag:$0x2] =	sbarrier.arrive $0xFFFF  }
0x131: {  	[sflag:s0] =	ssyncadd.tile.s32 @!p0 $0x1;
	_ =	shalt  }
.Lfunc_end2:
_tile_overlayer_lowered:
.L_overlay_start_2:
0x132: {  	(tag) =	ssettag $0x2  }
0x133: {  	s0 =	rddreg [dreg:$0x0];
	s2 =	stileid.u32  }
0x134: {  	s1 =	rddreg [dreg:$0x1];
	p0 =	sne.s32 s2, $0x0  }
0x135: {  	s3 =	rddreg [dreg:$0x2];
	[bflag:$0x3] =	sbarrier.arrive $0xFFFF;
	s2 =	simm.s32 @!p0 $0x1C01  }
0x136: {  	[timem:s3], [sflag:s2] =	dma.local @!p0 [hbm:s0], s1  }
0x137: {  	s0 =	simm.s32 @!p0 $0x1  }
0x138: {  	_ =	swait.ge @!p0 [sflag:s0], s1  }
0x139: {  	s1 =	ssub.s32 @!p0 $0x0, s1;
	[sflag:s0] =	ssyncset.done @!p0 $0x0  }
0x13a: {  	[sflag:s0] =	ssyncadd.s32 @!p0 s1  }
0x13b: {  	[bflag:$0x3] =	sbarrier.arrive $0xFFFF  }
0x13c: {  	_ =	shalt  }

</sc_bundles>
